<compile_context>
chip_gen: v7x
topology: tpu7x:2x2x1
jax: 0.10.2.dev20260603
libtpu: 0.0.44.dev20260713+nightly
codegen_flags: <defaults>
</compile_context>

<pallas_src>
import functools

import jax
import jax.numpy as jnp
from jax import lax
from jax.experimental import pallas as pl
from jax.experimental.pallas import tpu as pltpu
from jax.experimental.pallas import tpu_sc as plsc

N = 10000
D = 128
NTILES = 16
NCORES = 2
CHUNK = 128
ACC_ROWS = 10112
SLAB0 = ACC_ROWS // NTILES
SLABW = 624



def _make_agg(chunks_per_worker: int, with_deg: bool):
    mesh = plsc.VectorSubcoreMesh(core_axis_name="c", subcore_axis_name="s",
                                  num_cores=NCORES, num_subcores=NTILES)
    out_type = [jax.ShapeDtypeStruct((NCORES, N, D), jnp.float32)]
    if with_deg:
        out_type.append(jax.ShapeDtypeStruct((NCORES, N, 16), jnp.float32))
    scratch = [
        pltpu.VMEM_SHARED((ACC_ROWS, D), jnp.float32),
        pltpu.VMEM((CHUNK,), jnp.int32),
        pltpu.VMEM((CHUNK,), jnp.int32),
        pltpu.VMEM((CHUNK, D), jnp.float32),
        pltpu.SemaphoreType.DMA,
    ]
    if with_deg:
        scratch.insert(1, pltpu.VMEM_SHARED((ACC_ROWS, 16), jnp.float32))
        scratch.append(pltpu.VMEM((CHUNK, 16), jnp.float32))

    @functools.partial(pl.kernel, mesh=mesh, out_type=tuple(out_type),
                       scratch_types=tuple(scratch))
    def agg(table, src_p, dst_p, z128, z16, ones16, *rest):
        if with_deg:
            (out_sum, out_deg, acc, dacc, idx_s, idx_d, rows, sem, ones_v) = rest
        else:
            (out_sum, acc, idx_s, idx_d, rows, sem) = rest
        c = lax.axis_index("c")
        s = lax.axis_index("s")
        wid = c * NTILES + s

        pltpu.sync_copy(z128, acc.at[pl.ds(s * SLAB0, SLAB0)])
        if with_deg:
            pltpu.sync_copy(z16, dacc.at[pl.ds(s * SLAB0, SLAB0)])
            pltpu.sync_copy(ones16, ones_v)
        plsc.subcore_barrier()

        base = wid * (chunks_per_worker * CHUNK)

        def chunk_body(j, carry):
            off = base + j * CHUNK
            pltpu.sync_copy(src_p.at[pl.ds(off, CHUNK)], idx_s)
            pltpu.sync_copy(dst_p.at[pl.ds(off, CHUNK)], idx_d)
            pltpu.async_copy(table.at[idx_s], rows, sem).wait()
            pltpu.sync_copy(rows, acc.at[idx_d], add=True)
            if with_deg:
                pltpu.sync_copy(ones_v, dacc.at[idx_d], add=True)
            return carry

        lax.fori_loop(0, chunks_per_worker, chunk_body, 0)
        plsc.subcore_barrier()

        @pl.when(s < NTILES - 1)
        def _():
            pltpu.sync_copy(acc.at[pl.ds(s * SLABW, SLABW)],
                            out_sum.at[c, pl.ds(s * SLABW, SLABW)])
            if with_deg:
                pltpu.sync_copy(dacc.at[pl.ds(s * SLABW, SLABW)],
                                out_deg.at[c, pl.ds(s * SLABW, SLABW)])

        @pl.when(s == NTILES - 1)
        def _():
            tail = N - (NTILES - 1) * SLABW
            off = (NTILES - 1) * SLABW
            pltpu.sync_copy(acc.at[pl.ds(off, tail)],
                            out_sum.at[c, pl.ds(off, tail)])
            if with_deg:
                pltpu.sync_copy(dacc.at[pl.ds(off, tail)],
                                out_deg.at[c, pl.ds(off, tail)])

    return agg



def _stage_a(x1, mask, W_fl, b_fl):
    bm = 2000

    def body(x_ref, m_ref, w_ref, b_ref, o_ref):
        xl = jnp.dot(x_ref[...], w_ref[...],
                     preferred_element_type=jnp.float32) + b_ref[...]
        o_ref[...] = x_ref[...] + m_ref[...] * xl

    return pl.pallas_call(
        body,
        grid=(N // bm,),
        in_specs=[
            pl.BlockSpec((bm, D), lambda i: (i, 0)),
            pl.BlockSpec((bm, 1), lambda i: (i, 0)),
            pl.BlockSpec((D, D), lambda i: (0, 0)),
            pl.BlockSpec((1, D), lambda i: (0, 0)),
        ],
        out_specs=pl.BlockSpec((bm, D), lambda i: (i, 0)),
        out_shape=jax.ShapeDtypeStruct((N, D), jnp.float32),
    )(x1, mask, W_fl, b_fl.reshape(1, D))


def _stage_b(norm_adj, X1p):
    bm = 200

    def body(a_ref, x_ref, o_ref):
        o_ref[...] = jnp.dot(a_ref[...], x_ref[...],
                             preferred_element_type=jnp.float32)

    return pl.pallas_call(
        body,
        grid=(N // bm,),
        in_specs=[
            pl.BlockSpec((bm, N), lambda m: (m, 0)),
            pl.BlockSpec((N, D), lambda m: (0, 0)),
        ],
        out_specs=pl.BlockSpec((bm, D), lambda m: (m, 0)),
        out_shape=jax.ShapeDtypeStruct((N, D), jnp.float32),
        compiler_params=pltpu.CompilerParams(
            dimension_semantics=("arbitrary",)),
    )(norm_adj, X1p)


def _stage_c(x_1, x2, S1p, S2p, DEGp, W_enc, b_enc, W_proj, b_proj):
    bm = 2000

    def body(x1_ref, x2_ref, s1_ref, s2_ref, dg_ref, we_ref, be_ref,
             wp_ref, bp_ref, o_ref):
        deg = dg_ref[0, :, :1] + dg_ref[1, :, :1]
        inv = 1.0 / jnp.clip(deg, 1.0, None)
        agg1 = (s1_ref[0] + s1_ref[1]) * inv
        agg2 = (s2_ref[0] + s2_ref[1]) * inv
        z1 = jnp.maximum(
            jnp.dot(x1_ref[...] + agg1, we_ref[...],
                    preferred_element_type=jnp.float32) + be_ref[...], 0.0)
        z2 = jnp.maximum(
            jnp.dot(x2_ref[...] + agg2, we_ref[...],
                    preferred_element_type=jnp.float32) + be_ref[...], 0.0)
        z = (z1 + z2) * 0.5
        o_ref[...] = jnp.dot(z, wp_ref[...],
                             preferred_element_type=jnp.float32) + bp_ref[...]

    return pl.pallas_call(
        body,
        grid=(N // bm,),
        in_specs=[
            pl.BlockSpec((bm, D), lambda i: (i, 0)),
            pl.BlockSpec((bm, D), lambda i: (i, 0)),
            pl.BlockSpec((NCORES, bm, D), lambda i: (0, i, 0)),
            pl.BlockSpec((NCORES, bm, D), lambda i: (0, i, 0)),
            pl.BlockSpec((NCORES, bm, 16), lambda i: (0, i, 0)),
            pl.BlockSpec((D, D), lambda i: (0, 0)),
            pl.BlockSpec((1, D), lambda i: (0, 0)),
            pl.BlockSpec((D, D), lambda i: (0, 0)),
            pl.BlockSpec((1, D), lambda i: (0, 0)),
        ],
        out_specs=pl.BlockSpec((bm, D), lambda i: (i, 0)),
        out_shape=jax.ShapeDtypeStruct((N, D), jnp.float32),
    )(x_1, x2, S1p, S2p, DEGp, W_enc, b_enc.reshape(1, D),
      W_proj, b_proj.reshape(1, D))



def kernel(x1, x2, norm_adj, edge_index1, train_fts_idx, vali_test_fts_idx,
           W_fl, b_fl, W_enc, b_enc, W_proj, b_proj):
    E = edge_index1.shape[1]
    nworkers = NCORES * NTILES
    cpw = (-(-E // nworkers) + CHUNK - 1) // CHUNK
    e_pad = nworkers * cpw * CHUNK

    src = edge_index1[0].astype(jnp.int32)
    dst = edge_index1[1].astype(jnp.int32)
    pad = e_pad - E
    src_p = jnp.concatenate([src, jnp.zeros((pad,), jnp.int32)])
    dst_p = jnp.concatenate([dst, jnp.full((pad,), N, jnp.int32)])

    mask = jnp.zeros((N, 1), jnp.float32).at[vali_test_fts_idx].set(1.0)

    z128 = jnp.zeros((SLAB0, D), jnp.float32)
    z16 = jnp.zeros((SLAB0, 16), jnp.float32)
    ones16 = jnp.ones((CHUNK, 16), jnp.float32)

    agg_deg = _make_agg(cpw, with_deg=True)
    agg_plain = _make_agg(cpw, with_deg=False)

    (S2p,) = agg_plain(x2, src_p, dst_p, z128, z16, ones16)
    dg = jax.ops.segment_sum(jnp.ones((E,), jnp.float32), dst,
                             num_segments=N)
    DEGp = jnp.stack([jnp.broadcast_to(dg[:, None], (N, 16)),
                      jnp.zeros((N, 16), jnp.float32)])
    X1p = _stage_a(x1, mask, W_fl, b_fl)
    x_1 = _stage_b(norm_adj, X1p)
    (S1p,) = agg_plain(x_1, src_p, dst_p, z128, z16, ones16)

    return _stage_c(x_1, x2, S1p, S2p, DEGp, W_enc, b_enc, W_proj, b_proj)

# --- scband reference (transcript-rebuilt; emitter-appended) ---
"""Pipeline reference for scband-model-55748675502620 (READ-ONLY COPY).

The authoritative reference and input builder live on the scoring server;
editing this copy changes nothing except your own understanding.
"""

import jax, jax.numpy as jnp
import numpy as np

N, E, D = 10000, 320000, 128

def setup_inputs(seed: int = 0) -> dict:
    key = jax.random.key(seed)
    ks = jax.random.split(key, 12)
    x1 = jax.random.normal(ks[0], (N, D), dtype=jnp.float32)
    x2 = jax.random.normal(ks[1], (N, D), dtype=jnp.float32)
    edge_index1 = jax.random.randint(ks[2], (2, E), 0, N, dtype=jnp.int64)
    # row-normalized dense adjacency-like operator
    norm_adj = jax.random.uniform(ks[3], (N, N), dtype=jnp.float32) / float(N)
    train_fts_idx = jax.random.randint(ks[4], (5000,), 0, N, dtype=jnp.int64)
    vali_test_fts_idx = jax.random.randint(ks[5], (2000,), 0, N, dtype=jnp.int64)
    # learned parameters: feature_learner (linear), GCN encoder layer, projector
    W_fl = jax.random.normal(ks[6], (D, D), dtype=jnp.float32) * 0.05
    b_fl = jnp.zeros((D,), dtype=jnp.float32)
    W_enc = jax.random.normal(ks[7], (D, D), dtype=jnp.float32) * 0.05
    b_enc = jnp.zeros((D,), dtype=jnp.float32)
    W_proj = jax.random.normal(ks[8], (D, D), dtype=jnp.float32) * 0.05
    b_proj = jnp.zeros((D,), dtype=jnp.float32)
    return {"x1": x1, "x2": x2, "norm_adj": norm_adj, "edge_index1": edge_index1,
            "train_fts_idx": train_fts_idx, "vali_test_fts_idx": vali_test_fts_idx,
            "W_fl": W_fl, "b_fl": b_fl, "W_enc": W_enc, "b_enc": b_enc,
            "W_proj": W_proj, "b_proj": b_proj}

def _encoder(x, edge_index, W_enc, b_enc):
    src = edge_index[0]
    dst = edge_index[1]
    msgs = jnp.take(x, src, axis=0)
    agg = jax.ops.segment_sum(msgs, dst, num_segments=x.shape[0])
    deg = jax.ops.segment_sum(jnp.ones((edge_index.shape[1],), dtype=x.dtype), dst, num_segments=x.shape[0])
    agg = agg / jnp.clip(deg, 1.0, None)[:, None]
    return jax.nn.relu((x + agg) @ W_enc + b_enc)

def reference(x1, x2, norm_adj, edge_index1, train_fts_idx, vali_test_fts_idx,
              W_fl, b_fl, W_enc, b_enc, W_proj, b_proj):
    # feature_learner(x_1_)
    x_learn = x1 @ W_fl + b_fl
    # zero[vali_test_fts_idx] = 0 + x_learn[vali_test_fts_idx]
    zero = jnp.zeros_like(x_learn).at[vali_test_fts_idx].set(jnp.take(x_learn, vali_test_fts_idx, axis=0))
    x_1__ = x1 + zero
    # x_1 = norm_adj @ x_1__
    x_1 = norm_adj @ x_1__
    z_1 = _encoder(x_1, edge_index1, W_enc, b_enc)
    z_2 = _encoder(x2, edge_index1, W_enc, b_enc)
    z = (z_1 + z_2) * 0.5
    out = z @ W_proj + b_proj
    return out

if __name__ == "__main__":
    import jax
    _d = setup_inputs()
    print(jax.jit(kernel)(*tuple(_d.values())))

</pallas_src>

<mosaic_0001>
#map = affine_map<(d0, d1) -> (0, 0)>
#map1 = affine_map<(d0, d1) -> (0)>
#map2 = affine_map<(d0, d1) -> (0, 0, 0)>
module attributes {stable_mosaic.version = 14 : i64} {
  func.func @agg(%arg0: i32, %arg1: i32, %arg2: memref<10000x128xf32, #tpu.memory_space<hbm>>, %arg3: memref<323584xi32, #tpu.memory_space<hbm>>, %arg4: memref<323584xi32, #tpu.memory_space<hbm>>, %arg5: memref<632x128xf32, #tpu.memory_space<hbm>>, %arg6: memref<632x16xf32, #tpu.memory_space<hbm>>, %arg7: memref<128x16xf32, #tpu.memory_space<hbm>>, %arg8: memref<2x10000x128xf32, #tpu.memory_space<hbm>>, %arg9: memref<10112x128xf32, #tpu.memory_space<vmem_shared>>, %arg10: memref<128xi32, #tpu.memory_space<vmem>>, %arg11: memref<128xi32, #tpu.memory_space<vmem>>, %arg12: memref<128x128xf32, #tpu.memory_space<vmem>>, %arg13: memref<!tpu.dma_semaphore, #tpu.memory_space<semaphore_mem>>) attributes {dimension_semantics = [#tpu.dimension_semantics<core_parallel>, #tpu.dimension_semantics<subcore_parallel>], iteration_bounds = array<i64: 2, 16>, scalar_prefetch = 0 : i64, scratch_operands = 5 : i64, tpu.core_type = #tpu.core_type<sc_vector_subcore>, window_params = [{transform_indices = #map}, {transform_indices = #map1}, {transform_indices = #map1}, {transform_indices = #map}, {transform_indices = #map}, {transform_indices = #map}, {transform_indices = #map2}]} {
    %mul3A = arith.constant 16 : i32
    %mul3A_0 = arith.muli %arg0, %mul3A : i32
    %add3A = arith.addi %mul3A_0, %arg1 : i32
    %mul3A_1 = arith.constant 632 : i32
    %mul3A_2 = arith.muli %arg1, %mul3A_1 : i32
    "tpu.region"() ({
      %run_scoped3A = tpu.sem_alloc : memref<!tpu.dma_semaphore, #tpu.memory_space<semaphore_mem>>
      %dma_start3A = arith.constant 0 : i32
      %dma_start3A_17 = tpu.memref_slice %arg9[%mul3A_2, %dma_start3A] : memref<10112x128xf32, #tpu.memory_space<vmem_shared>> -> memref<632x128xf32, #tpu.memory_space<vmem_shared>>
      tpu.enqueue_dma source(%arg5 : memref<632x128xf32, #tpu.memory_space<hbm>>) target(%dma_start3A_17 : memref<632x128xf32, #tpu.memory_space<vmem_shared>>) target_semaphore(%run_scoped3A : memref<!tpu.dma_semaphore, #tpu.memory_space<semaphore_mem>>)
      %dma_wait3A = arith.constant 0 : i32
      %dma_wait3A_18 = tpu.memref_slice %arg9[%mul3A_2, %dma_wait3A] : memref<10112x128xf32, #tpu.memory_space<vmem_shared>> -> memref<632x128xf32, #tpu.memory_space<vmem_shared>>
      tpu.wait_dma2 semaphore(%run_scoped3A : memref<!tpu.dma_semaphore, #tpu.memory_space<semaphore_mem>>) src(%arg5 : memref<632x128xf32, #tpu.memory_space<hbm>>) dst(%dma_wait3A_18 : memref<632x128xf32, #tpu.memory_space<vmem_shared>>)
      tpu.yield
    }) : () -> ()
    %barrier3A = arith.constant 0 : index
    tpu.barrier barrier_id(%barrier3A)
    %mul3A_3 = arith.constant 10112 : i32
    %mul3A_4 = arith.muli %add3A, %mul3A_3 : i32
    %scan3A = arith.constant 0 : i32
    %scan3A_5 = arith.constant 0 : i32
    %scan3A_6 = arith.constant 79 : i32
    %scan3A_7 = arith.addi %scan3A_5, %scan3A_6 : i32
    %scan3A_8 = arith.constant 1 : i32
    scf.for %scan3A_17 = %scan3A_5 to %scan3A_7 step %scan3A_8  : i32 {
      %mul3A_18 = arith.constant 128 : i32
      %mul3A_19 = arith.muli %scan3A_17, %mul3A_18 : i32
      %add3A_20 = arith.addi %mul3A_4, %mul3A_19 : i32
      "tpu.region"() ({
        %run_scoped3A = tpu.sem_alloc : memref<!tpu.dma_semaphore, #tpu.memory_space<semaphore_mem>>
        %dma_start3A_25 = tpu.memref_slice %arg3[%add3A_20] : memref<323584xi32, #tpu.memory_space<hbm>> -> memref<128xi32, #tpu.memory_space<hbm>>
        %dma_start3A_26 = tpu.memref_slice %arg3[%add3A_20] : memref<323584xi32, #tpu.memory_space<hbm>> -> memref<128xi32, #tpu.memory_space<hbm>>
        tpu.enqueue_dma source(%dma_start3A_26 : memref<128xi32, #tpu.memory_space<hbm>>) target(%arg10 : memref<128xi32, #tpu.memory_space<vmem>>) target_semaphore(%run_scoped3A : memref<!tpu.dma_semaphore, #tpu.memory_space<semaphore_mem>>)
        %dma_wait3A_27 = tpu.memref_slice %arg3[%add3A_20] : memref<323584xi32, #tpu.memory_space<hbm>> -> memref<128xi32, #tpu.memory_space<hbm>>
        %dma_wait3A_28 = tpu.memref_slice %arg3[%add3A_20] : memref<323584xi32, #tpu.memory_space<hbm>> -> memref<128xi32, #tpu.memory_space<hbm>>
        tpu.wait_dma2 semaphore(%run_scoped3A : memref<!tpu.dma_semaphore, #tpu.memory_space<semaphore_mem>>) src(%dma_wait3A_28 : memref<128xi32, #tpu.memory_space<hbm>>) dst(%arg10 : memref<128xi32, #tpu.memory_space<vmem>>)
        tpu.yield
      }) : () -> ()
      "tpu.region"() ({
        %run_scoped3A = tpu.sem_alloc : memref<!tpu.dma_semaphore, #tpu.memory_space<semaphore_mem>>
        %dma_start3A_25 = tpu.memref_slice %arg4[%add3A_20] : memref<323584xi32, #tpu.memory_space<hbm>> -> memref<128xi32, #tpu.memory_space<hbm>>
        %dma_start3A_26 = tpu.memref_slice %arg4[%add3A_20] : memref<323584xi32, #tpu.memory_space<hbm>> -> memref<128xi32, #tpu.memory_space<hbm>>
        tpu.enqueue_dma source(%dma_start3A_26 : memref<128xi32, #tpu.memory_space<hbm>>) target(%arg11 : memref<128xi32, #tpu.memory_space<vmem>>) target_semaphore(%run_scoped3A : memref<!tpu.dma_semaphore, #tpu.memory_space<semaphore_mem>>)
        %dma_wait3A_27 = tpu.memref_slice %arg4[%add3A_20] : memref<323584xi32, #tpu.memory_space<hbm>> -> memref<128xi32, #tpu.memory_space<hbm>>
        %dma_wait3A_28 = tpu.memref_slice %arg4[%add3A_20] : memref<323584xi32, #tpu.memory_space<hbm>> -> memref<128xi32, #tpu.memory_space<hbm>>
        tpu.wait_dma2 semaphore(%run_scoped3A : memref<!tpu.dma_semaphore, #tpu.memory_space<semaphore_mem>>) src(%dma_wait3A_28 : memref<128xi32, #tpu.memory_space<hbm>>) dst(%arg11 : memref<128xi32, #tpu.memory_space<vmem>>)
        tpu.yield
      }) : () -> ()
      %dma_start3A = arith.constant 0 : i32
      %dma_start3A_21 = arith.constant 0 : i32
      %dma_start3A_22 = tpu.memref_slice %arg2[%dma_start3A, %dma_start3A_21] : memref<10000x128xf32, #tpu.memory_space<hbm>> -> memref<10000x128xf32, #tpu.memory_space<hbm>>
      tpu.enqueue_indirect_dma source(%dma_start3A_22 : memref<10000x128xf32, #tpu.memory_space<hbm>>) target(%arg12 : memref<128x128xf32, #tpu.memory_space<vmem>>) offsets(%arg10 : memref<128xi32, #tpu.memory_space<vmem>>) semaphore(%arg13 : memref<!tpu.dma_semaphore, #tpu.memory_space<semaphore_mem>>)
      %dma_wait3A = arith.constant 0 : i32
      %dma_wait3A_23 = arith.constant 0 : i32
      %dma_wait3A_24 = tpu.memref_slice %arg2[%dma_wait3A, %dma_wait3A_23] : memref<10000x128xf32, #tpu.memory_space<hbm>> -> memref<10000x128xf32, #tpu.memory_space<hbm>>
      tpu.wait_indirect_dma semaphore(%arg13 : memref<!tpu.dma_semaphore, #tpu.memory_space<semaphore_mem>>) src(%dma_wait3A_24 : memref<10000x128xf32, #tpu.memory_space<hbm>>) dst(%arg12 : memref<128x128xf32, #tpu.memory_space<vmem>>)
      "tpu.region"() ({
        %run_scoped3A = tpu.sem_alloc : memref<!tpu.dma_semaphore, #tpu.memory_space<semaphore_mem>>
        %dma_start3A_25 = arith.constant 0 : i32
        %dma_start3A_26 = arith.constant 0 : i32
        %dma_start3A_27 = tpu.memref_slice %arg9[%dma_start3A_25, %dma_start3A_26] : memref<10112x128xf32, #tpu.memory_space<vmem_shared>> -> memref<10112x128xf32, #tpu.memory_space<vmem_shared>>
        tpu.enqueue_indirect_dma source(%arg12 : memref<128x128xf32, #tpu.memory_space<vmem>>) target(%dma_start3A_27 : memref<10112x128xf32, #tpu.memory_space<vmem_shared>>) offsets(%arg11 : memref<128xi32, #tpu.memory_space<vmem>>) semaphore(%run_scoped3A : memref<!tpu.dma_semaphore, #tpu.memory_space<semaphore_mem>>) {add = true}
        %dma_wait3A_28 = arith.constant 0 : i32
        %dma_wait3A_29 = arith.constant 0 : i32
        %dma_wait3A_30 = tpu.memref_slice %arg9[%dma_wait3A_28, %dma_wait3A_29] : memref<10112x128xf32, #tpu.memory_space<vmem_shared>> -> memref<10112x128xf32, #tpu.memory_space<vmem_shared>>
        tpu.wait_indirect_dma semaphore(%run_scoped3A : memref<!tpu.dma_semaphore, #tpu.memory_space<semaphore_mem>>) src(%arg12 : memref<128x128xf32, #tpu.memory_space<vmem>>) dst(%dma_wait3A_30 : memref<10112x128xf32, #tpu.memory_space<vmem_shared>>)
        tpu.yield
      }) : () -> ()
    }
    %scan3A_9 = arith.constant 79 : i32
    %barrier3A_10 = arith.constant 0 : index
    tpu.barrier barrier_id(%barrier3A_10)
    %lt3A = arith.constant 15 : i32
    %lt3A_11 = arith.cmpi slt, %arg1, %lt3A : i32
    %convert_element_type3A = arith.extui %lt3A_11 : i1 to i32
    %cond3A = arith.constant 0 : i32
    %cond3A_12 = arith.cmpi ne, %convert_element_type3A, %cond3A : i32
    scf.if %cond3A_12 {
      %mul3A_17 = arith.constant 624 : i32
      %mul3A_18 = arith.muli %arg1, %mul3A_17 : i32
      %mul3A_19 = arith.constant 624 : i32
      %mul3A_20 = arith.muli %arg1, %mul3A_19 : i32
      "tpu.region"() ({
        %run_scoped3A = tpu.sem_alloc : memref<!tpu.dma_semaphore, #tpu.memory_space<semaphore_mem>>
        %dma_start3A = arith.constant 0 : i32
        %dma_start3A_21 = tpu.memref_slice %arg8[%arg0, %mul3A_20, %dma_start3A] : memref<2x10000x128xf32, #tpu.memory_space<hbm>> -> memref<1x624x128xf32, #tpu.memory_space<hbm>>
        %dma_start3A_22 = tpu.memref_squeeze %dma_start3A_21 : memref<1x624x128xf32, #tpu.memory_space<hbm>> -> memref<624x128xf32, #tpu.memory_space<hbm>>
        %dma_start3A_23 = arith.constant 0 : i32
        %dma_start3A_24 = tpu.memref_slice %arg9[%mul3A_18, %dma_start3A_23] : memref<10112x128xf32, #tpu.memory_space<vmem_shared>> -> memref<624x128xf32, #tpu.memory_space<vmem_shared>>
        tpu.enqueue_dma source(%dma_start3A_24 : memref<624x128xf32, #tpu.memory_space<vmem_shared>>) target(%dma_start3A_22 : memref<624x128xf32, #tpu.memory_space<hbm>>) target_semaphore(%run_scoped3A : memref<!tpu.dma_semaphore, #tpu.memory_space<semaphore_mem>>)
        %dma_wait3A = arith.constant 0 : i32
        %dma_wait3A_25 = tpu.memref_slice %arg8[%arg0, %mul3A_20, %dma_wait3A] : memref<2x10000x128xf32, #tpu.memory_space<hbm>> -> memref<1x624x128xf32, #tpu.memory_space<hbm>>
        %dma_wait3A_26 = tpu.memref_squeeze %dma_wait3A_25 : memref<1x624x128xf32, #tpu.memory_space<hbm>> -> memref<624x128xf32, #tpu.memory_space<hbm>>
        %dma_wait3A_27 = arith.constant 0 : i32
        %dma_wait3A_28 = tpu.memref_slice %arg9[%mul3A_18, %dma_wait3A_27] : memref<10112x128xf32, #tpu.memory_space<vmem_shared>> -> memref<624x128xf32, #tpu.memory_space<vmem_shared>>
        tpu.wait_dma2 semaphore(%run_scoped3A : memref<!tpu.dma_semaphore, #tpu.memory_space<semaphore_mem>>) src(%dma_wait3A_28 : memref<624x128xf32, #tpu.memory_space<vmem_shared>>) dst(%dma_wait3A_26 : memref<624x128xf32, #tpu.memory_space<hbm>>)
        tpu.yield
      }) : () -> ()
    } else {
    }
    %eq3A = arith.constant 15 : i32
    %eq3A_13 = arith.cmpi eq, %arg1, %eq3A : i32
    %convert_element_type3A_14 = arith.extui %eq3A_13 : i1 to i32
    %cond3A_15 = arith.constant 0 : i32
    %cond3A_16 = arith.cmpi ne, %convert_element_type3A_14, %cond3A_15 : i32
    scf.if %cond3A_16 {
      "tpu.region"() ({
        %run_scoped3A = tpu.sem_alloc : memref<!tpu.dma_semaphore, #tpu.memory_space<semaphore_mem>>
        %dma_start3A = arith.constant 9360 : i32
        %dma_start3A_17 = arith.constant 0 : i32
        %dma_start3A_18 = tpu.memref_slice %arg8[%arg0, %dma_start3A, %dma_start3A_17] : memref<2x10000x128xf32, #tpu.memory_space<hbm>> -> memref<1x640x128xf32, #tpu.memory_space<hbm>>
        %dma_start3A_19 = tpu.memref_squeeze %dma_start3A_18 : memref<1x640x128xf32, #tpu.memory_space<hbm>> -> memref<640x128xf32, #tpu.memory_space<hbm>>
        %dma_start3A_20 = arith.constant 9360 : i32
        %dma_start3A_21 = arith.constant 0 : i32
        %dma_start3A_22 = tpu.memref_slice %arg9[%dma_start3A_20, %dma_start3A_21] : memref<10112x128xf32, #tpu.memory_space<vmem_shared>> -> memref<640x128xf32, #tpu.memory_space<vmem_shared>>
        tpu.enqueue_dma source(%dma_start3A_22 : memref<640x128xf32, #tpu.memory_space<vmem_shared>>) target(%dma_start3A_19 : memref<640x128xf32, #tpu.memory_space<hbm>>) target_semaphore(%run_scoped3A : memref<!tpu.dma_semaphore, #tpu.memory_space<semaphore_mem>>)
        %dma_wait3A = arith.constant 9360 : i32
        %dma_wait3A_23 = arith.constant 0 : i32
        %dma_wait3A_24 = tpu.memref_slice %arg8[%arg0, %dma_wait3A, %dma_wait3A_23] : memref<2x10000x128xf32, #tpu.memory_space<hbm>> -> memref<1x640x128xf32, #tpu.memory_space<hbm>>
        %dma_wait3A_25 = tpu.memref_squeeze %dma_wait3A_24 : memref<1x640x128xf32, #tpu.memory_space<hbm>> -> memref<640x128xf32, #tpu.memory_space<hbm>>
        %dma_wait3A_26 = arith.constant 9360 : i32
        %dma_wait3A_27 = arith.constant 0 : i32
        %dma_wait3A_28 = tpu.memref_slice %arg9[%dma_wait3A_26, %dma_wait3A_27] : memref<10112x128xf32, #tpu.memory_space<vmem_shared>> -> memref<640x128xf32, #tpu.memory_space<vmem_shared>>
        tpu.wait_dma2 semaphore(%run_scoped3A : memref<!tpu.dma_semaphore, #tpu.memory_space<semaphore_mem>>) src(%dma_wait3A_28 : memref<640x128xf32, #tpu.memory_space<vmem_shared>>) dst(%dma_wait3A_25 : memref<640x128xf32, #tpu.memory_space<hbm>>)
        tpu.yield
      }) : () -> ()
    } else {
    }
    return
  }
}

#map = affine_map<(d0, d1) -> (0, 0)>
#map1 = affine_map<(d0, d1) -> (0)>
#map2 = affine_map<(d0, d1) -> (0, 0, 0)>
module attributes {stable_mosaic.version = 14 : i64} {
  func.func @agg(%arg0: i32, %arg1: i32, %arg2: memref<10000x128xf32, #tpu.memory_space<hbm>>, %arg3: memref<323584xi32, #tpu.memory_space<hbm>>, %arg4: memref<323584xi32, #tpu.memory_space<hbm>>, %arg5: memref<632x128xf32, #tpu.memory_space<hbm>>, %arg6: memref<632x16xf32, #tpu.memory_space<hbm>>, %arg7: memref<128x16xf32, #tpu.memory_space<hbm>>, %arg8: memref<2x10000x128xf32, #tpu.memory_space<hbm>>, %arg9: memref<10112x128xf32, #tpu.memory_space<vmem_shared>>, %arg10: memref<128xi32, #tpu.memory_space<vmem>>, %arg11: memref<128xi32, #tpu.memory_space<vmem>>, %arg12: memref<128x128xf32, #tpu.memory_space<vmem>>, %arg13: memref<!tpu.dma_semaphore, #tpu.memory_space<semaphore_mem>>) attributes {dimension_semantics = [#tpu.dimension_semantics<core_parallel>, #tpu.dimension_semantics<subcore_parallel>], iteration_bounds = array<i64: 2, 16>, scalar_prefetch = 0 : i64, scratch_operands = 5 : i64, tpu.core_type = #tpu.core_type<sc_vector_subcore>, window_params = [{transform_indices = #map}, {transform_indices = #map1}, {transform_indices = #map1}, {transform_indices = #map}, {transform_indices = #map}, {transform_indices = #map}, {transform_indices = #map2}]} {
    %mul3A = arith.constant 16 : i32
    %mul3A_0 = arith.muli %arg0, %mul3A : i32
    %add3A = arith.addi %mul3A_0, %arg1 : i32
    %mul3A_1 = arith.constant 632 : i32
    %mul3A_2 = arith.muli %arg1, %mul3A_1 : i32
    "tpu.region"() ({
      %run_scoped3A = tpu.sem_alloc : memref<!tpu.dma_semaphore, #tpu.memory_space<semaphore_mem>>
      %dma_start3A = arith.constant 0 : i32
      %dma_start3A_17 = tpu.memref_slice %arg9[%mul3A_2, %dma_start3A] : memref<10112x128xf32, #tpu.memory_space<vmem_shared>> -> memref<632x128xf32, #tpu.memory_space<vmem_shared>>
      tpu.enqueue_dma source(%arg5 : memref<632x128xf32, #tpu.memory_space<hbm>>) target(%dma_start3A_17 : memref<632x128xf32, #tpu.memory_space<vmem_shared>>) target_semaphore(%run_scoped3A : memref<!tpu.dma_semaphore, #tpu.memory_space<semaphore_mem>>)
      %dma_wait3A = arith.constant 0 : i32
      %dma_wait3A_18 = tpu.memref_slice %arg9[%mul3A_2, %dma_wait3A] : memref<10112x128xf32, #tpu.memory_space<vmem_shared>> -> memref<632x128xf32, #tpu.memory_space<vmem_shared>>
      tpu.wait_dma2 semaphore(%run_scoped3A : memref<!tpu.dma_semaphore, #tpu.memory_space<semaphore_mem>>) src(%arg5 : memref<632x128xf32, #tpu.memory_space<hbm>>) dst(%dma_wait3A_18 : memref<632x128xf32, #tpu.memory_space<vmem_shared>>)
      tpu.yield
    }) : () -> ()
    %barrier3A = arith.constant 0 : index
    tpu.barrier barrier_id(%barrier3A)
    %mul3A_3 = arith.constant 10112 : i32
    %mul3A_4 = arith.muli %add3A, %mul3A_3 : i32
    %scan3A = arith.constant 0 : i32
    %scan3A_5 = arith.constant 0 : i32
    %scan3A_6 = arith.constant 79 : i32
    %scan3A_7 = arith.addi %scan3A_5, %scan3A_6 : i32
    %scan3A_8 = arith.constant 1 : i32
    scf.for %scan3A_17 = %scan3A_5 to %scan3A_7 step %scan3A_8  : i32 {
      %mul3A_18 = arith.constant 128 : i32
      %mul3A_19 = arith.muli %scan3A_17, %mul3A_18 : i32
      %add3A_20 = arith.addi %mul3A_4, %mul3A_19 : i32
      "tpu.region"() ({
        %run_scoped3A = tpu.sem_alloc : memref<!tpu.dma_semaphore, #tpu.memory_space<semaphore_mem>>
        %dma_start3A_25 = tpu.memref_slice %arg3[%add3A_20] : memref<323584xi32, #tpu.memory_space<hbm>> -> memref<128xi32, #tpu.memory_space<hbm>>
        %dma_start3A_26 = tpu.memref_slice %arg3[%add3A_20] : memref<323584xi32, #tpu.memory_space<hbm>> -> memref<128xi32, #tpu.memory_space<hbm>>
        tpu.enqueue_dma source(%dma_start3A_26 : memref<128xi32, #tpu.memory_space<hbm>>) target(%arg10 : memref<128xi32, #tpu.memory_space<vmem>>) target_semaphore(%run_scoped3A : memref<!tpu.dma_semaphore, #tpu.memory_space<semaphore_mem>>)
        %dma_wait3A_27 = tpu.memref_slice %arg3[%add3A_20] : memref<323584xi32, #tpu.memory_space<hbm>> -> memref<128xi32, #tpu.memory_space<hbm>>
        %dma_wait3A_28 = tpu.memref_slice %arg3[%add3A_20] : memref<323584xi32, #tpu.memory_space<hbm>> -> memref<128xi32, #tpu.memory_space<hbm>>
        tpu.wait_dma2 semaphore(%run_scoped3A : memref<!tpu.dma_semaphore, #tpu.memory_space<semaphore_mem>>) src(%dma_wait3A_28 : memref<128xi32, #tpu.memory_space<hbm>>) dst(%arg10 : memref<128xi32, #tpu.memory_space<vmem>>)
        tpu.yield
      }) : () -> ()
      "tpu.region"() ({
        %run_scoped3A = tpu.sem_alloc : memref<!tpu.dma_semaphore, #tpu.memory_space<semaphore_mem>>
        %dma_start3A_25 = tpu.memref_slice %arg4[%add3A_20] : memref<323584xi32, #tpu.memory_space<hbm>> -> memref<128xi32, #tpu.memory_space<hbm>>
        %dma_start3A_26 = tpu.memref_slice %arg4[%add3A_20] : memref<323584xi32, #tpu.memory_space<hbm>> -> memref<128xi32, #tpu.memory_space<hbm>>
        tpu.enqueue_dma source(%dma_start3A_26 : memref<128xi32, #tpu.memory_space<hbm>>) target(%arg11 : memref<128xi32, #tpu.memory_space<vmem>>) target_semaphore(%run_scoped3A : memref<!tpu.dma_semaphore, #tpu.memory_space<semaphore_mem>>)
        %dma_wait3A_27 = tpu.memref_slice %arg4[%add3A_20] : memref<323584xi32, #tpu.memory_space<hbm>> -> memref<128xi32, #tpu.memory_space<hbm>>
        %dma_wait3A_28 = tpu.memref_slice %arg4[%add3A_20] : memref<323584xi32, #tpu.memory_space<hbm>> -> memref<128xi32, #tpu.memory_space<hbm>>
        tpu.wait_dma2 semaphore(%run_scoped3A : memref<!tpu.dma_semaphore, #tpu.memory_space<semaphore_mem>>) src(%dma_wait3A_28 : memref<128xi32, #tpu.memory_space<hbm>>) dst(%arg11 : memref<128xi32, #tpu.memory_space<vmem>>)
        tpu.yield
      }) : () -> ()
      %dma_start3A = arith.constant 0 : i32
      %dma_start3A_21 = arith.constant 0 : i32
      %dma_start3A_22 = tpu.memref_slice %arg2[%dma_start3A, %dma_start3A_21] : memref<10000x128xf32, #tpu.memory_space<hbm>> -> memref<10000x128xf32, #tpu.memory_space<hbm>>
      tpu.enqueue_indirect_dma source(%dma_start3A_22 : memref<10000x128xf32, #tpu.memory_space<hbm>>) target(%arg12 : memref<128x128xf32, #tpu.memory_space<vmem>>) offsets(%arg10 : memref<128xi32, #tpu.memory_space<vmem>>) semaphore(%arg13 : memref<!tpu.dma_semaphore, #tpu.memory_space<semaphore_mem>>)
      %dma_wait3A = arith.constant 0 : i32
      %dma_wait3A_23 = arith.constant 0 : i32
      %dma_wait3A_24 = tpu.memref_slice %arg2[%dma_wait3A, %dma_wait3A_23] : memref<10000x128xf32, #tpu.memory_space<hbm>> -> memref<10000x128xf32, #tpu.memory_space<hbm>>
      tpu.wait_indirect_dma semaphore(%arg13 : memref<!tpu.dma_semaphore, #tpu.memory_space<semaphore_mem>>) src(%dma_wait3A_24 : memref<10000x128xf32, #tpu.memory_space<hbm>>) dst(%arg12 : memref<128x128xf32, #tpu.memory_space<vmem>>)
      "tpu.region"() ({
        %run_scoped3A = tpu.sem_alloc : memref<!tpu.dma_semaphore, #tpu.memory_space<semaphore_mem>>
        %dma_start3A_25 = arith.constant 0 : i32
        %dma_start3A_26 = arith.constant 0 : i32
        %dma_start3A_27 = tpu.memref_slice %arg9[%dma_start3A_25, %dma_start3A_26] : memref<10112x128xf32, #tpu.memory_space<vmem_shared>> -> memref<10112x128xf32, #tpu.memory_space<vmem_shared>>
        tpu.enqueue_indirect_dma source(%arg12 : memref<128x128xf32, #tpu.memory_space<vmem>>) target(%dma_start3A_27 : memref<10112x128xf32, #tpu.memory_space<vmem_shared>>) offsets(%arg11 : memref<128xi32, #tpu.memory_space<vmem>>) semaphore(%run_scoped3A : memref<!tpu.dma_semaphore, #tpu.memory_space<semaphore_mem>>) {add = true}
        %dma_wait3A_28 = arith.constant 0 : i32
        %dma_wait3A_29 = arith.constant 0 : i32
        %dma_wait3A_30 = tpu.memref_slice %arg9[%dma_wait3A_28, %dma_wait3A_29] : memref<10112x128xf32, #tpu.memory_space<vmem_shared>> -> memref<10112x128xf32, #tpu.memory_space<vmem_shared>>
        tpu.wait_indirect_dma semaphore(%run_scoped3A : memref<!tpu.dma_semaphore, #tpu.memory_space<semaphore_mem>>) src(%arg12 : memref<128x128xf32, #tpu.memory_space<vmem>>) dst(%dma_wait3A_30 : memref<10112x128xf32, #tpu.memory_space<vmem_shared>>)
        tpu.yield
      }) : () -> ()
    }
    %scan3A_9 = arith.constant 79 : i32
    %barrier3A_10 = arith.constant 0 : index
    tpu.barrier barrier_id(%barrier3A_10)
    %lt3A = arith.constant 15 : i32
    %lt3A_11 = arith.cmpi slt, %arg1, %lt3A : i32
    %convert_element_type3A = arith.extui %lt3A_11 : i1 to i32
    %cond3A = arith.constant 0 : i32
    %cond3A_12 = arith.cmpi ne, %convert_element_type3A, %cond3A : i32
    scf.if %cond3A_12 {
      %mul3A_17 = arith.constant 624 : i32
      %mul3A_18 = arith.muli %arg1, %mul3A_17 : i32
      %mul3A_19 = arith.constant 624 : i32
      %mul3A_20 = arith.muli %arg1, %mul3A_19 : i32
      "tpu.region"() ({
        %run_scoped3A = tpu.sem_alloc : memref<!tpu.dma_semaphore, #tpu.memory_space<semaphore_mem>>
        %dma_start3A = arith.constant 0 : i32
        %dma_start3A_21 = tpu.memref_slice %arg8[%arg0, %mul3A_20, %dma_start3A] : memref<2x10000x128xf32, #tpu.memory_space<hbm>> -> memref<1x624x128xf32, #tpu.memory_space<hbm>>
        %dma_start3A_22 = tpu.memref_squeeze %dma_start3A_21 : memref<1x624x128xf32, #tpu.memory_space<hbm>> -> memref<624x128xf32, #tpu.memory_space<hbm>>
        %dma_start3A_23 = arith.constant 0 : i32
        %dma_start3A_24 = tpu.memref_slice %arg9[%mul3A_18, %dma_start3A_23] : memref<10112x128xf32, #tpu.memory_space<vmem_shared>> -> memref<624x128xf32, #tpu.memory_space<vmem_shared>>
        tpu.enqueue_dma source(%dma_start3A_24 : memref<624x128xf32, #tpu.memory_space<vmem_shared>>) target(%dma_start3A_22 : memref<624x128xf32, #tpu.memory_space<hbm>>) target_semaphore(%run_scoped3A : memref<!tpu.dma_semaphore, #tpu.memory_space<semaphore_mem>>)
        %dma_wait3A = arith.constant 0 : i32
        %dma_wait3A_25 = tpu.memref_slice %arg8[%arg0, %mul3A_20, %dma_wait3A] : memref<2x10000x128xf32, #tpu.memory_space<hbm>> -> memref<1x624x128xf32, #tpu.memory_space<hbm>>
        %dma_wait3A_26 = tpu.memref_squeeze %dma_wait3A_25 : memref<1x624x128xf32, #tpu.memory_space<hbm>> -> memref<624x128xf32, #tpu.memory_space<hbm>>
        %dma_wait3A_27 = arith.constant 0 : i32
        %dma_wait3A_28 = tpu.memref_slice %arg9[%mul3A_18, %dma_wait3A_27] : memref<10112x128xf32, #tpu.memory_space<vmem_shared>> -> memref<624x128xf32, #tpu.memory_space<vmem_shared>>
        tpu.wait_dma2 semaphore(%run_scoped3A : memref<!tpu.dma_semaphore, #tpu.memory_space<semaphore_mem>>) src(%dma_wait3A_28 : memref<624x128xf32, #tpu.memory_space<vmem_shared>>) dst(%dma_wait3A_26 : memref<624x128xf32, #tpu.memory_space<hbm>>)
        tpu.yield
      }) : () -> ()
    } else {
    }
    %eq3A = arith.constant 15 : i32
    %eq3A_13 = arith.cmpi eq, %arg1, %eq3A : i32
    %convert_element_type3A_14 = arith.extui %eq3A_13 : i1 to i32
    %cond3A_15 = arith.constant 0 : i32
    %cond3A_16 = arith.cmpi ne, %convert_element_type3A_14, %cond3A_15 : i32
    scf.if %cond3A_16 {
      "tpu.region"() ({
        %run_scoped3A = tpu.sem_alloc : memref<!tpu.dma_semaphore, #tpu.memory_space<semaphore_mem>>
        %dma_start3A = arith.constant 9360 : i32
        %dma_start3A_17 = arith.constant 0 : i32
        %dma_start3A_18 = tpu.memref_slice %arg8[%arg0, %dma_start3A, %dma_start3A_17] : memref<2x10000x128xf32, #tpu.memory_space<hbm>> -> memref<1x640x128xf32, #tpu.memory_space<hbm>>
        %dma_start3A_19 = tpu.memref_squeeze %dma_start3A_18 : memref<1x640x128xf32, #tpu.memory_space<hbm>> -> memref<640x128xf32, #tpu.memory_space<hbm>>
        %dma_start3A_20 = arith.constant 9360 : i32
        %dma_start3A_21 = arith.constant 0 : i32
        %dma_start3A_22 = tpu.memref_slice %arg9[%dma_start3A_20, %dma_start3A_21] : memref<10112x128xf32, #tpu.memory_space<vmem_shared>> -> memref<640x128xf32, #tpu.memory_space<vmem_shared>>
        tpu.enqueue_dma source(%dma_start3A_22 : memref<640x128xf32, #tpu.memory_space<vmem_shared>>) target(%dma_start3A_19 : memref<640x128xf32, #tpu.memory_space<hbm>>) target_semaphore(%run_scoped3A : memref<!tpu.dma_semaphore, #tpu.memory_space<semaphore_mem>>)
        %dma_wait3A = arith.constant 9360 : i32
        %dma_wait3A_23 = arith.constant 0 : i32
        %dma_wait3A_24 = tpu.memref_slice %arg8[%arg0, %dma_wait3A, %dma_wait3A_23] : memref<2x10000x128xf32, #tpu.memory_space<hbm>> -> memref<1x640x128xf32, #tpu.memory_space<hbm>>
        %dma_wait3A_25 = tpu.memref_squeeze %dma_wait3A_24 : memref<1x640x128xf32, #tpu.memory_space<hbm>> -> memref<640x128xf32, #tpu.memory_space<hbm>>
        %dma_wait3A_26 = arith.constant 9360 : i32
        %dma_wait3A_27 = arith.constant 0 : i32
        %dma_wait3A_28 = tpu.memref_slice %arg9[%dma_wait3A_26, %dma_wait3A_27] : memref<10112x128xf32, #tpu.memory_space<vmem_shared>> -> memref<640x128xf32, #tpu.memory_space<vmem_shared>>
        tpu.wait_dma2 semaphore(%run_scoped3A : memref<!tpu.dma_semaphore, #tpu.memory_space<semaphore_mem>>) src(%dma_wait3A_28 : memref<640x128xf32, #tpu.memory_space<vmem_shared>>) dst(%dma_wait3A_25 : memref<640x128xf32, #tpu.memory_space<hbm>>)
        tpu.yield
      }) : () -> ()
    } else {
    }
    return
  }
}

module attributes {stable_mosaic.version = 14 : i64} {
  func.func @body(%arg0: i32, %arg1: memref<2000x128xf32, #tpu.memory_space<vmem>>, %arg2: memref<2000x1xf32, #tpu.memory_space<vmem>>, %arg3: memref<128x128xf32, #tpu.memory_space<vmem>>, %arg4: memref<1x128xf32, #tpu.memory_space<vmem>>, %arg5: memref<2000x128xf32, #tpu.memory_space<vmem>>) attributes {dimension_semantics = [#tpu.dimension_semantics<arbitrary>], iteration_bounds = array<i64: 5>, scalar_prefetch = 0 : i64, scratch_operands = 0 : i64, tpu.core_type = #tpu.core_type<tc>, window_params = [{transform_indices = @transform_0, window_bounds = array<i64: 2000, 128>}, {transform_indices = @transform_1, window_bounds = array<i64: 2000, 1>}, {pipeline_mode = #tpu.pipeline_mode<synchronous>, transform_indices = @transform_2, window_bounds = array<i64: 128, 128>}, {pipeline_mode = #tpu.pipeline_mode<synchronous>, transform_indices = @transform_3, window_bounds = array<i64: 1, 128>}, {transform_indices = @transform_4, window_bounds = array<i64: 2000, 128>}]} {
    %get3A = arith.constant 0 : index
    %get3A_0 = arith.constant 0 : index
    %get3A_1 = vector.load %arg1[%get3A, %get3A_0] : memref<2000x128xf32, #tpu.memory_space<vmem>>, vector<2000x128xf32>
    %get3A_2 = arith.constant 0 : index
    %get3A_3 = arith.constant 0 : index
    %get3A_4 = vector.load %arg3[%get3A_2, %get3A_3] : memref<128x128xf32, #tpu.memory_space<vmem>>, vector<128x128xf32>
    %dot_general3A = arith.constant dense<0.000000e+00> : vector<2000x128xf32>
    %dot_general3A_5 = tpu.matmul %get3A_1, %get3A_4, %dot_general3A {dimension_numbers = #tpu.dot_dimension_numbers<[1], [0], [0], [1], [0, 0, 1, 1], [], []>, transpose_lhs_hint = false} : vector<2000x128xf32>, vector<128x128xf32>, vector<2000x128xf32> -> vector<2000x128xf32>
    %get3A_6 = arith.constant 0 : index
    %get3A_7 = arith.constant 0 : index
    %get3A_8 = vector.load %arg4[%get3A_6, %get3A_7] : memref<1x128xf32, #tpu.memory_space<vmem>>, vector<1x128xf32>
    %add3A = vector.broadcast %get3A_8 : vector<1x128xf32> to vector<2000x128xf32>
    %add3A_9 = arith.addf %dot_general3A_5, %add3A : vector<2000x128xf32>
    %get3A_10 = arith.constant 0 : index
    %get3A_11 = arith.constant 0 : index
    %get3A_12 = vector.load %arg1[%get3A_10, %get3A_11] : memref<2000x128xf32, #tpu.memory_space<vmem>>, vector<2000x128xf32>
    %get3A_13 = arith.constant 0 : index
    %get3A_14 = arith.constant 0 : index
    %get3A_15 = vector.load %arg2[%get3A_13, %get3A_14] : memref<2000x1xf32, #tpu.memory_space<vmem>>, vector<2000x1xf32>
    %mul3A = vector.broadcast %get3A_15 : vector<2000x1xf32> to vector<2000x128xf32>
    %mul3A_16 = arith.mulf %mul3A, %add3A_9 : vector<2000x128xf32>
    %add3A_17 = arith.addf %get3A_12, %mul3A_16 : vector<2000x128xf32>
    %swap3A = arith.constant 0 : index
    %swap3A_18 = arith.constant 0 : index
    %swap3A_19 = vector.load %arg5[%swap3A, %swap3A_18] : memref<2000x128xf32, #tpu.memory_space<vmem>>, vector<2000x128xf32>
    tpu.vector_store %arg5[%swap3A, %swap3A_18], %add3A_17 {strides = array<i32>} : memref<2000x128xf32, #tpu.memory_space<vmem>>, vector<2000x128xf32>,
    return
  }
  func.func @transform_0(%arg0: i32) -> (i32, i32) {
    %c0_i32 = arith.constant 0 : i32
    %c0_i32_0 = arith.constant 0 : i32
    return %arg0, %c0_i32 : i32, i32
  }
  func.func @transform_1(%arg0: i32) -> (i32, i32) {
    %c0_i32 = arith.constant 0 : i32
    %c0_i32_0 = arith.constant 0 : i32
    return %arg0, %c0_i32 : i32, i32
  }
  func.func @transform_2(%arg0: i32) -> (i32, i32) {
    %c0_i32 = arith.constant 0 : i32
    %c0_i32_0 = arith.constant 0 : i32
    %c0_i32_1 = arith.constant 0 : i32
    return %c0_i32, %c0_i32_0 : i32, i32
  }
  func.func @transform_3(%arg0: i32) -> (i32, i32) {
    %c0_i32 = arith.constant 0 : i32
    %c0_i32_0 = arith.constant 0 : i32
    %c0_i32_1 = arith.constant 0 : i32
    return %c0_i32, %c0_i32_0 : i32, i32
  }
  func.func @transform_4(%arg0: i32) -> (i32, i32) {
    %c0_i32 = arith.constant 0 : i32
    %c0_i32_0 = arith.constant 0 : i32
    return %arg0, %c0_i32 : i32, i32
  }
}

module attributes {stable_mosaic.version = 14 : i64} {
  func.func @body(%arg0: i32, %arg1: memref<200x10000xf32, #tpu.memory_space<vmem>>, %arg2: memref<10000x128xf32, #tpu.memory_space<vmem>>, %arg3: memref<200x128xf32, #tpu.memory_space<vmem>>) attributes {dimension_semantics = [#tpu.dimension_semantics<arbitrary>], iteration_bounds = array<i64: 50>, scalar_prefetch = 0 : i64, scratch_operands = 0 : i64, tpu.core_type = #tpu.core_type<tc>, window_params = [{transform_indices = @transform_0, window_bounds = array<i64: 200, 10000>}, {pipeline_mode = #tpu.pipeline_mode<synchronous>, transform_indices = @transform_1, window_bounds = array<i64: 10000, 128>}, {transform_indices = @transform_2, window_bounds = array<i64: 200, 128>}]} {
    %get3A = arith.constant 0 : index
    %get3A_0 = arith.constant 0 : index
    %get3A_1 = vector.load %arg1[%get3A, %get3A_0] : memref<200x10000xf32, #tpu.memory_space<vmem>>, vector<200x10000xf32>
    %get3A_2 = arith.constant 0 : index
    %get3A_3 = arith.constant 0 : index
    %get3A_4 = vector.load %arg2[%get3A_2, %get3A_3] : memref<10000x128xf32, #tpu.memory_space<vmem>>, vector<10000x128xf32>
    %dot_general3A = arith.constant dense<0.000000e+00> : vector<200x128xf32>
    %dot_general3A_5 = tpu.matmul %get3A_1, %get3A_4, %dot_general3A {dimension_numbers = #tpu.dot_dimension_numbers<[1], [0], [0], [1], [0, 0, 1, 1], [], []>, transpose_lhs_hint = false} : vector<200x10000xf32>, vector<10000x128xf32>, vector<200x128xf32> -> vector<200x128xf32>
    %swap3A = arith.constant 0 : index
    %swap3A_6 = arith.constant 0 : index
    %swap3A_7 = vector.load %arg3[%swap3A, %swap3A_6] : memref<200x128xf32, #tpu.memory_space<vmem>>, vector<200x128xf32>
    tpu.vector_store %arg3[%swap3A, %swap3A_6], %dot_general3A_5 {strides = array<i32>} : memref<200x128xf32, #tpu.memory_space<vmem>>, vector<200x128xf32>,
    return
  }
  func.func @transform_0(%arg0: i32) -> (i32, i32) {
    %c0_i32 = arith.constant 0 : i32
    %c0_i32_0 = arith.constant 0 : i32
    return %arg0, %c0_i32 : i32, i32
  }
  func.func @transform_1(%arg0: i32) -> (i32, i32) {
    %c0_i32 = arith.constant 0 : i32
    %c0_i32_0 = arith.constant 0 : i32
    %c0_i32_1 = arith.constant 0 : i32
    return %c0_i32, %c0_i32_0 : i32, i32
  }
  func.func @transform_2(%arg0: i32) -> (i32, i32) {
    %c0_i32 = arith.constant 0 : i32
    %c0_i32_0 = arith.constant 0 : i32
    return %arg0, %c0_i32 : i32, i32
  }
}

module attributes {stable_mosaic.version = 14 : i64} {
  func.func @body(%arg0: i32, %arg1: memref<2000x128xf32, #tpu.memory_space<vmem>>, %arg2: memref<2000x128xf32, #tpu.memory_space<vmem>>, %arg3: memref<2x2000x128xf32, #tpu.memory_space<vmem>>, %arg4: memref<2x2000x128xf32, #tpu.memory_space<vmem>>, %arg5: memref<2x2000x16xf32, #tpu.memory_space<vmem>>, %arg6: memref<128x128xf32, #tpu.memory_space<vmem>>, %arg7: memref<1x128xf32, #tpu.memory_space<vmem>>, %arg8: memref<128x128xf32, #tpu.memory_space<vmem>>, %arg9: memref<1x128xf32, #tpu.memory_space<vmem>>, %arg10: memref<2000x128xf32, #tpu.memory_space<vmem>>) attributes {dimension_semantics = [#tpu.dimension_semantics<arbitrary>], iteration_bounds = array<i64: 5>, scalar_prefetch = 0 : i64, scratch_operands = 0 : i64, tpu.core_type = #tpu.core_type<tc>, window_params = [{transform_indices = @transform_0, window_bounds = array<i64: 2000, 128>}, {transform_indices = @transform_1, window_bounds = array<i64: 2000, 128>}, {transform_indices = @transform_2, window_bounds = array<i64: 2, 2000, 128>}, {transform_indices = @transform_3, window_bounds = array<i64: 2, 2000, 128>}, {transform_indices = @transform_4, window_bounds = array<i64: 2, 2000, 16>}, {pipeline_mode = #tpu.pipeline_mode<synchronous>, transform_indices = @transform_5, window_bounds = array<i64: 128, 128>}, {pipeline_mode = #tpu.pipeline_mode<synchronous>, transform_indices = @transform_6, window_bounds = array<i64: 1, 128>}, {pipeline_mode = #tpu.pipeline_mode<synchronous>, transform_indices = @transform_7, window_bounds = array<i64: 128, 128>}, {pipeline_mode = #tpu.pipeline_mode<synchronous>, transform_indices = @transform_8, window_bounds = array<i64: 1, 128>}, {transform_indices = @transform_9, window_bounds = array<i64: 2000, 128>}]} {
    %get3A = arith.constant 0 : index
    %get3A_0 = arith.constant 0 : index
    %get3A_1 = arith.constant 0 : index
    %get3A_2 = vector.load %arg5[%get3A, %get3A_0, %get3A_1] : memref<2x2000x16xf32, #tpu.memory_space<vmem>>, vector<1x2000x1xf32>
    %get3A_3 = vector.shape_cast %get3A_2 : vector<1x2000x1xf32> to vector<2000x1xf32>
    %get3A_4 = arith.constant 1 : index
    %get3A_5 = arith.constant 0 : index
    %get3A_6 = arith.constant 0 : index
    %get3A_7 = vector.load %arg5[%get3A_4, %get3A_5, %get3A_6] : memref<2x2000x16xf32, #tpu.memory_space<vmem>>, vector<1x2000x1xf32>
    %get3A_8 = vector.shape_cast %get3A_7 : vector<1x2000x1xf32> to vector<2000x1xf32>
    %add3A = arith.addf %get3A_3, %get3A_8 : vector<2000x1xf32>
    %jit3A = arith.constant 1.000000e+00 : f32
    %max3A = vector.broadcast %jit3A : f32 to vector<2000x1xf32>
    %max3A_9 = arith.maximumf %max3A, %add3A : vector<2000x1xf32>
    %div3A = arith.constant 1.000000e+00 : f32
    %div3A_10 = vector.broadcast %div3A : f32 to vector<2000x1xf32>
    %div3A_11 = arith.divf %div3A_10, %max3A_9 : vector<2000x1xf32>
    %get3A_12 = arith.constant 0 : index
    %get3A_13 = arith.constant 0 : index
    %get3A_14 = arith.constant 0 : index
    %get3A_15 = vector.load %arg3[%get3A_12, %get3A_13, %get3A_14] : memref<2x2000x128xf32, #tpu.memory_space<vmem>>, vector<1x2000x128xf32>
    %get3A_16 = vector.shape_cast %get3A_15 : vector<1x2000x128xf32> to vector<2000x128xf32>
    %get3A_17 = arith.constant 1 : index
    %get3A_18 = arith.constant 0 : index
    %get3A_19 = arith.constant 0 : index
    %get3A_20 = vector.load %arg3[%get3A_17, %get3A_18, %get3A_19] : memref<2x2000x128xf32, #tpu.memory_space<vmem>>, vector<1x2000x128xf32>
    %get3A_21 = vector.shape_cast %get3A_20 : vector<1x2000x128xf32> to vector<2000x128xf32>
    %add3A_22 = arith.addf %get3A_16, %get3A_21 : vector<2000x128xf32>
    %mul3A = vector.broadcast %div3A_11 : vector<2000x1xf32> to vector<2000x128xf32>
    %mul3A_23 = arith.mulf %add3A_22, %mul3A : vector<2000x128xf32>
    %get3A_24 = arith.constant 0 : index
    %get3A_25 = arith.constant 0 : index
    %get3A_26 = arith.constant 0 : index
    %get3A_27 = vector.load %arg4[%get3A_24, %get3A_25, %get3A_26] : memref<2x2000x128xf32, #tpu.memory_space<vmem>>, vector<1x2000x128xf32>
    %get3A_28 = vector.shape_cast %get3A_27 : vector<1x2000x128xf32> to vector<2000x128xf32>
    %get3A_29 = arith.constant 1 : index
    %get3A_30 = arith.constant 0 : index
    %get3A_31 = arith.constant 0 : index
    %get3A_32 = vector.load %arg4[%get3A_29, %get3A_30, %get3A_31] : memref<2x2000x128xf32, #tpu.memory_space<vmem>>, vector<1x2000x128xf32>
    %get3A_33 = vector.shape_cast %get3A_32 : vector<1x2000x128xf32> to vector<2000x128xf32>
    %add3A_34 = arith.addf %get3A_28, %get3A_33 : vector<2000x128xf32>
    %mul3A_35 = vector.broadcast %div3A_11 : vector<2000x1xf32> to vector<2000x128xf32>
    %mul3A_36 = arith.mulf %add3A_34, %mul3A_35 : vector<2000x128xf32>
    %get3A_37 = arith.constant 0 : index
    %get3A_38 = arith.constant 0 : index
    %get3A_39 = vector.load %arg1[%get3A_37, %get3A_38] : memref<2000x128xf32, #tpu.memory_space<vmem>>, vector<2000x128xf32>
    %add3A_40 = arith.addf %get3A_39, %mul3A_23 : vector<2000x128xf32>
    %get3A_41 = arith.constant 0 : index
    %get3A_42 = arith.constant 0 : index
    %get3A_43 = vector.load %arg6[%get3A_41, %get3A_42] : memref<128x128xf32, #tpu.memory_space<vmem>>, vector<128x128xf32>
    %dot_general3A = arith.constant dense<0.000000e+00> : vector<2000x128xf32>
    %dot_general3A_44 = tpu.matmul %add3A_40, %get3A_43, %dot_general3A {dimension_numbers = #tpu.dot_dimension_numbers<[1], [0], [0], [1], [0, 0, 1, 1], [], []>, transpose_lhs_hint = false} : vector<2000x128xf32>, vector<128x128xf32>, vector<2000x128xf32> -> vector<2000x128xf32>
    %get3A_45 = arith.constant 0 : index
    %get3A_46 = arith.constant 0 : index
    %get3A_47 = vector.load %arg7[%get3A_45, %get3A_46] : memref<1x128xf32, #tpu.memory_space<vmem>>, vector<1x128xf32>
    %add3A_48 = vector.broadcast %get3A_47 : vector<1x128xf32> to vector<2000x128xf32>
    %add3A_49 = arith.addf %dot_general3A_44, %add3A_48 : vector<2000x128xf32>
    %max3A_50 = arith.constant 0.000000e+00 : f32
    %max3A_51 = vector.broadcast %max3A_50 : f32 to vector<2000x128xf32>
    %max3A_52 = arith.maximumf %add3A_49, %max3A_51 : vector<2000x128xf32>
    %get3A_53 = arith.constant 0 : index
    %get3A_54 = arith.constant 0 : index
    %get3A_55 = vector.load %arg2[%get3A_53, %get3A_54] : memref<2000x128xf32, #tpu.memory_space<vmem>>, vector<2000x128xf32>
    %add3A_56 = arith.addf %get3A_55, %mul3A_36 : vector<2000x128xf32>
    %get3A_57 = arith.constant 0 : index
    %get3A_58 = arith.constant 0 : index
    %get3A_59 = vector.load %arg6[%get3A_57, %get3A_58] : memref<128x128xf32, #tpu.memory_space<vmem>>, vector<128x128xf32>
    %dot_general3A_60 = arith.constant dense<0.000000e+00> : vector<2000x128xf32>
    %dot_general3A_61 = tpu.matmul %add3A_56, %get3A_59, %dot_general3A_60 {dimension_numbers = #tpu.dot_dimension_numbers<[1], [0], [0], [1], [0, 0, 1, 1], [], []>, transpose_lhs_hint = false} : vector<2000x128xf32>, vector<128x128xf32>, vector<2000x128xf32> -> vector<2000x128xf32>
    %get3A_62 = arith.constant 0 : index
    %get3A_63 = arith.constant 0 : index
    %get3A_64 = vector.load %arg7[%get3A_62, %get3A_63] : memref<1x128xf32, #tpu.memory_space<vmem>>, vector<1x128xf32>
    %add3A_65 = vector.broadcast %get3A_64 : vector<1x128xf32> to vector<2000x128xf32>
    %add3A_66 = arith.addf %dot_general3A_61, %add3A_65 : vector<2000x128xf32>
    %max3A_67 = arith.constant 0.000000e+00 : f32
    %max3A_68 = vector.broadcast %max3A_67 : f32 to vector<2000x128xf32>
    %max3A_69 = arith.maximumf %add3A_66, %max3A_68 : vector<2000x128xf32>
    %add3A_70 = arith.addf %max3A_52, %max3A_69 : vector<2000x128xf32>
    %mul3A_71 = arith.constant 5.000000e-01 : f32
    %mul3A_72 = vector.broadcast %mul3A_71 : f32 to vector<2000x128xf32>
    %mul3A_73 = arith.mulf %add3A_70, %mul3A_72 : vector<2000x128xf32>
    %get3A_74 = arith.constant 0 : index
    %get3A_75 = arith.constant 0 : index
    %get3A_76 = vector.load %arg8[%get3A_74, %get3A_75] : memref<128x128xf32, #tpu.memory_space<vmem>>, vector<128x128xf32>
    %dot_general3A_77 = arith.constant dense<0.000000e+00> : vector<2000x128xf32>
    %dot_general3A_78 = tpu.matmul %mul3A_73, %get3A_76, %dot_general3A_77 {dimension_numbers = #tpu.dot_dimension_numbers<[1], [0], [0], [1], [0, 0, 1, 1], [], []>, transpose_lhs_hint = false} : vector<2000x128xf32>, vector<128x128xf32>, vector<2000x128xf32> -> vector<2000x128xf32>
    %get3A_79 = arith.constant 0 : index
    %get3A_80 = arith.constant 0 : index
    %get3A_81 = vector.load %arg9[%get3A_79, %get3A_80] : memref<1x128xf32, #tpu.memory_space<vmem>>, vector<1x128xf32>
    %add3A_82 = vector.broadcast %get3A_81 : vector<1x128xf32> to vector<2000x128xf32>
    %add3A_83 = arith.addf %dot_general3A_78, %add3A_82 : vector<2000x128xf32>
    %swap3A = arith.constant 0 : index
    %swap3A_84 = arith.constant 0 : index
    %swap3A_85 = vector.load %arg10[%swap3A, %swap3A_84] : memref<2000x128xf32, #tpu.memory_space<vmem>>, vector<2000x128xf32>
    tpu.vector_store %arg10[%swap3A, %swap3A_84], %add3A_83 {strides = array<i32>} : memref<2000x128xf32, #tpu.memory_space<vmem>>, vector<2000x128xf32>,
    return
  }
  func.func @transform_0(%arg0: i32) -> (i32, i32) {
    %c0_i32 = arith.constant 0 : i32
    %c0_i32_0 = arith.constant 0 : i32
    return %arg0, %c0_i32 : i32, i32
  }
  func.func @transform_1(%arg0: i32) -> (i32, i32) {
    %c0_i32 = arith.constant 0 : i32
    %c0_i32_0 = arith.constant 0 : i32
    return %arg0, %c0_i32 : i32, i32
  }
  func.func @transform_2(%arg0: i32) -> (i32, i32, i32) {
    %c0_i32 = arith.constant 0 : i32
    %c0_i32_0 = arith.constant 0 : i32
    %c0_i32_1 = arith.constant 0 : i32
    return %c0_i32, %arg0, %c0_i32_0 : i32, i32, i32
  }
  func.func @transform_3(%arg0: i32) -> (i32, i32, i32) {
    %c0_i32 = arith.constant 0 : i32
    %c0_i32_0 = arith.constant 0 : i32
    %c0_i32_1 = arith.constant 0 : i32
    return %c0_i32, %arg0, %c0_i32_0 : i32, i32, i32
  }
  func.func @transform_4(%arg0: i32) -> (i32, i32, i32) {
    %c0_i32 = arith.constant 0 : i32
    %c0_i32_0 = arith.constant 0 : i32
    %c0_i32_1 = arith.constant 0 : i32
    return %c0_i32, %arg0, %c0_i32_0 : i32, i32, i32
  }
  func.func @transform_5(%arg0: i32) -> (i32, i32) {
    %c0_i32 = arith.constant 0 : i32
    %c0_i32_0 = arith.constant 0 : i32
    %c0_i32_1 = arith.constant 0 : i32
    return %c0_i32, %c0_i32_0 : i32, i32
  }
  func.func @transform_6(%arg0: i32) -> (i32, i32) {
    %c0_i32 = arith.constant 0 : i32
    %c0_i32_0 = arith.constant 0 : i32
    %c0_i32_1 = arith.constant 0 : i32
    return %c0_i32, %c0_i32_0 : i32, i32
  }
  func.func @transform_7(%arg0: i32) -> (i32, i32) {
    %c0_i32 = arith.constant 0 : i32
    %c0_i32_0 = arith.constant 0 : i32
    %c0_i32_1 = arith.constant 0 : i32
    return %c0_i32, %c0_i32_0 : i32, i32
  }
  func.func @transform_8(%arg0: i32) -> (i32, i32) {
    %c0_i32 = arith.constant 0 : i32
    %c0_i32_0 = arith.constant 0 : i32
    %c0_i32_1 = arith.constant 0 : i32
    return %c0_i32, %c0_i32_0 : i32, i32
  }
  func.func @transform_9(%arg0: i32) -> (i32, i32) {
    %c0_i32 = arith.constant 0 : i32
    %c0_i32_0 = arith.constant 0 : i32
    return %arg0, %c0_i32 : i32, i32
  }
}

</mosaic_0001>

<sc_bundles>
// kernel: kernel.10.cloned.1.call-start
scs
__scs_entry_jumppad:
0x0: {  	(pc) =	sbr.rel $0x88, $3  }
0x1: {  	(tag) =	ssettag $0x0;
	lr =	simm.s32 $0x1  }
0x2: {  	[smem:$0x3F96] =	sst lr;
	_ =	strace $0xD0000000  }
0x3: {  	_ = 	snop  }
0x4: {  	_ = 	snop  }
0x5: {  	_ = 	snop  }
0x6: {  	_ = 	snop  }
0x7: {  	_ = 	snop  }
__scs_overlays_trampoline_lowered:
0x8: {  	[smem:$0x3FA5] =	sst s0  }
0x9: {  	[smem:$0x3FA6] =	sst s1  }
0xa: {  	[smem:$0x3FA7] =	sst s2  }
0xb: {  	[smem:$0x3FA8] =	sst s3  }
0xc: {  	[smem:$0x3FA9] =	sst s4  }
0xd: {  	[smem:$0x3FAA] =	sst s5  }
0xe: {  	[smem:$0x3FAB] =	sst s6  }
0xf: {  	[smem:$0x3FAC] =	sst s7  }
0x10: {  	[smem:$0x3FAD] =	sst s8  }
0x11: {  	[smem:$0x3FAE] =	sst s9;
	s0 =	simm.s32 @!p0 $0x0  }
0x12: {  	s1 =	sld [smem:$0x3F94];
	s0 =	simm.s32 @p0 $0x1  }
0x13: {  	[smem:$0x3FAF] =	sst s0;
	s0 =	simm.s32 @!p1 $0x0  }
0x14: {  	s2 =	sld [smem:$0x3F93];
	s0 =	simm.s32 @p1 $0x1  }
0x15: {  	[smem:$0x3FB0] =	sst s0;
	s0 =	simm.s32 @!p2 $0x0  }
0x16: {  	s3 =	sld [smem:$0x3FDB];
	s0 =	simm.s32 @p2 $0x1  }
0x17: {  	s4 =	simm.s32 $0x1BF5;
	[smem:$0x3FB2] =	sst s0  }
0x18: {  	s0 =	sld [smem:$0x3F95];
	_ =	swait.ge [sflag:s4], $0x0  }
0x19: {  	s7 =	sld [smem:$0x3F96]  }
0x1a: {  	s8 =	sadd.s32 $0xFFFFE003, lr  }
0x1b: {  	s9 =	sadd.s32 $0xFFFFFEF7, lr;
	s5 =	simm.s32 $0xFFFFFFFF;
	p2 =	slt.u32 s8, $0xFFFFF086  }
0x1c: {  	p1 =	slt.u32 s9, $0xF7A;
	s5 =	simm.s32 @!p2 $0x0  }
0x1d: {  	s5 =	simm.s32 @p1 $0x1;
	p0 =	seq.s32 s7, s2  }
0x1e: {  	s7 =	smul.u32 @!p0 $0xF7A, s2;
	p2 =	seq.s32 @!p0 s5, $0x0  }
0x1f: {  	s9 =	smul.u32 $0xF7A, s1;
	s8 =	simm.s32 @!p0 $0x1BF5;
	p2 =	por !p2, p0  }
0x20: {  	[sflag:s8] =	ssyncset.s32 @!p0 $0xFFFFF086;
	s6 =	sadd.s32 @!p0 s3, s7;
	s7 =	simm.s32 @!p0 $0x108  }
0x21: {  	s3 =	sadd.s32 s3, s9;
	s6 =	sadd.s32 @!p0 $0x88, s6;
	s7 =	simm.s32 @p2 $0x1082  }
0x22: {  	[simem:s7], [sflag:s8] =	dma.local @!p0 [hbm:s6], $0xF7A  }
0x23: {  	s9 =	sor.u32 $0xD0000000, s2;
	s6 =	simm.s32 $0x108;
	_ =	swait.ge @!p0 [sflag:s8], $0x0  }
0x24: {  	s3 =	sadd.s32 $0x88, s3;
	s6 =	simm.s32 @!p1 $0x1082;
	[sflag:s4] =	ssyncset.s32 $0xFFFFF086  }
0x25: {  	[simem:s6], [sflag:s4] =	dma.local [hbm:s3], $0xF7A  }
0x26: {  	[smem:$0x3F96] =	sst s1;
	(tag) =	ssettag s2;
	_ =	strace s9  }
0x27: {  	s1 =	sld [smem:$0x3FA6]  }
0x28: {  	s2 =	sld [smem:$0x3FA7]  }
0x29: {  	s4 =	sld [smem:$0x3FA9]  }
0x2a: {  	p0 =	seq.s32 s5, $0x0;
	s5 =	sld [smem:$0x3FAA]  }
0x2b: {  	s6 =	sld [smem:$0x3FAB]  }
0x2c: {  	s7 =	sld [smem:$0x3FAC]  }
0x2d: {  	s3 =	simm.s32 $0x108;
	s8 =	sld [smem:$0x3FAD]  }
0x2e: {  	s3 =	simm.s32 @!p0 $0x1082;
	s9 =	sld [smem:$0x3FAE]  }
0x2f: {  	lr =	sadd.s32 s0, s3;
	s0 =	sld [smem:$0x3FA5]  }
0x30: {  	s3 =	sld [smem:$0x3FA8]  }
0x31: {  	[smem:$0x3FB1] =	sst s10  }
0x32: {  	s10 =	sld [smem:$0x3FAF];
	_ =	sdelay $0x3  }
0x33: {  	p0 =	seq.s32 s10, $0x1;
	s10 =	sld [smem:$0x3FB1];
	_ =	sdelay $0x3  }
0x34: {  	[smem:$0x3FB1] =	sst s10  }
0x35: {  	s10 =	sld [smem:$0x3FB0];
	_ =	sdelay $0x3  }
0x36: {  	p1 =	seq.s32 s10, $0x1;
	s10 =	sld [smem:$0x3FB1];
	_ =	sdelay $0x3  }
0x37: {  	[smem:$0x3FB1] =	sst s10  }
0x38: {  	s10 =	sld [smem:$0x3FB2]  }
0x39: {  	_ = 	snop;
	(pc) =	sbr.ind lr, $3  }
0x3a: {  	_ = 	snop  }
0x3b: {  	_ = 	snop  }
0x3c: {  	p2 =	seq.s32 s10, $0x1;
	s10 =	sld [smem:$0x3FB1]  }
0x3d: {  	_ =	shalt  }
0x3e: {  	_ =	shalt  }
0x3f: {  	_ =	shalt  }
0x40: {  	_ =	shalt  }
0x41: {  	_ =	shalt  }
0x42: {  	_ =	shalt  }
0x43: {  	_ =	shalt  }
0x44: {  	_ =	shalt  }
0x45: {  	_ =	shalt  }
0x46: {  	_ =	shalt  }
0x47: {  	_ =	shalt  }
0x48: {  	_ =	shalt  }
0x49: {  	_ =	shalt  }
0x4a: {  	_ =	shalt  }
0x4b: {  	_ =	shalt  }
0x4c: {  	_ =	shalt  }
0x4d: {  	_ =	shalt  }
0x4e: {  	_ =	shalt  }
0x4f: {  	_ =	shalt  }
0x50: {  	_ =	shalt  }
0x51: {  	_ =	shalt  }
0x52: {  	_ =	shalt  }
0x53: {  	_ =	shalt  }
0x54: {  	_ =	shalt  }
0x55: {  	_ =	shalt  }
0x56: {  	_ =	shalt  }
0x57: {  	_ =	shalt  }
0x58: {  	_ =	shalt  }
0x59: {  	_ =	shalt  }
0x5a: {  	_ =	shalt  }
0x5b: {  	_ =	shalt  }
0x5c: {  	_ =	shalt  }
0x5d: {  	_ =	shalt  }
0x5e: {  	_ =	shalt  }
0x5f: {  	_ =	shalt  }
0x60: {  	_ =	shalt  }
0x61: {  	_ =	shalt  }
0x62: {  	_ =	shalt  }
0x63: {  	_ =	shalt  }
0x64: {  	_ =	shalt  }
0x65: {  	_ =	shalt  }
0x66: {  	_ =	shalt  }
0x67: {  	_ =	shalt  }
0x68: {  	_ =	shalt  }
0x69: {  	_ =	shalt  }
0x6a: {  	_ =	shalt  }
0x6b: {  	_ =	shalt  }
0x6c: {  	_ =	shalt  }
0x6d: {  	_ =	shalt  }
0x6e: {  	_ =	shalt  }
0x6f: {  	_ =	shalt  }
0x70: {  	_ =	shalt  }
0x71: {  	_ =	shalt  }
0x72: {  	_ =	shalt  }
0x73: {  	_ =	shalt  }
0x74: {  	_ =	shalt  }
0x75: {  	_ =	shalt  }
0x76: {  	_ =	shalt  }
0x77: {  	_ =	shalt  }
0x78: {  	_ =	shalt  }
0x79: {  	_ =	shalt  }
0x7a: {  	_ =	shalt  }
0x7b: {  	_ =	shalt  }
0x7c: {  	_ =	shalt  }
0x7d: {  	_ =	shalt  }
0x7e: {  	_ =	shalt  }
0x7f: {  	_ =	shalt  }
0x80: {  	_ =	shalt  }
0x81: {  	_ =	shalt  }
0x82: {  	_ =	shalt  }
0x83: {  	_ =	shalt  }
0x84: {  	_ =	shalt  }
0x85: {  	_ =	shalt  }
0x86: {  	_ =	shalt  }
0x87: {  	_ =	shalt  }
.Lfunc_end0:
.L_simem_size_0:
called_computation.2_lowered:
.L_overlay_start_0:
0x88: {  	s2 =	sld [smem:$0x3FD9]  }
0x89: {  	s3 =	sld [smem:$0x3FFE];
	_ =	sdelay $0x1  }
0x8a: {  	s1 =	srdreg.scid  }
0x8b: {  	s0 =	sand.u32 $0x1, s1  }
0x8c: {  	s17 =	sshll.u32 s0, $0xA;
	s2 =	sadd.s32 s3, s2  }
0x8d: {  	s2 =	sadd.s32 s2, s17  }
0x8e: {  	[smem:$0x3FBD] =	sst s2  }
0x8f: {  	_ = 	snop  }
0x90: {  	s18 =	sld [smem:$0x3FD0];
	(tm) =	ssettm $0x1  }
0x91: {  	s19 =	sld [smem:$0x3FFB];
	_ =	sdelay $0x3  }
0x92: {  	_ =	strace s19  }
0x93: {  	s2 =	sld [smem:$0x3FFC];
	_ =	sdelay $0x3  }
0x94: {  	_ =	strace s2  }
0x95: {  	s2 =	sld [smem:$0x3FFD];
	_ =	sdelay $0x3  }
0x96: {  	_ =	strace s2  }
0x97: {  	_ =	strace $0x8FFFFFFF  }
0x98: {  	s20 =	sld [smem:$0x3FDB];
	_ =	sdelay $0x1  }
0x99: {  	s4 =	simm.s32 $_scs_section_size  }
0x9a: {  	s5 =	simm.s32 $_size__tile_overlayer_lowered;
	s6 =	simm.s32 $_tile_overlayer_lowered  }
0x9b: {  	s7 =	simm.s32 $0x1BFF;
	s21 =	sshll.u32 s6, $0x1;
	s4 =	sadd.s32 s4, s20  }
0x9c: {  	s22 =	simm.s32 $0x0;
	s5 =	sshll.u32 s5, $0x1;
	s6 =	sadd.s32 s21, s4  }
0x9d: {  	[timem:s22], [sflag:s7] =	dma.local [hbm:s6], s5  }
0x9e: {  	_ =	swait.ge [sflag:s7], s5  }
0x9f: {  	s5 =	ssub.s32 $0x0, s5;
	[sflag:s7] =	ssyncset.done $0x0  }
0xa0: {  	[sflag:s7] =	ssyncadd.s32 s5;
	_ =	sdelay $0x1  }
0xa1: {  	s23 =	simm.s32 $0x1B8B  }
0xa2: {  	_ =	swait.ge [sflag:s23], $0x1  }
0xa3: {  	[sflag:s23] =	ssyncset.done $0x0  }
0xa4: {  	[sflag:s23] =	ssyncadd.s32 $0xFFFFFFFF  }
0xa5: {  	s5 =	sld [smem:$0x0]  }
0xa6: {  	s6 =	sand.u32 $0xFFFFFFFE, s1  }
0xa7: {  	p0 =	sne.s32 s1, s6  }
0xa8: {  	s6 =	sshll.u32 @p0 s6, $0xE  }
0xa9: {  	s6 =	sadd.s32 @p0 $0x11B8D, s6;
	s7 =	sshll.u32 @p0 s5, $0x11  }
0xaa: {  	s6 =	sor.u32 @p0 s7, s6  }
0xab: {  	[sflag:s6] =	ssyncadd.remote.s32 @p0 $0x1;
	_ =	sdelay $0x1  }
0xac: {  	s6 =	simm.s32 @p0 $0x1B8D  }
0xad: {  	_ =	swait.eq @p0 [sflag:s6], $0x1  }
0xae: {  	[sflag:s6] =	ssyncadd.s32 @p0 $0xFFFFFFFF  }
0xaf: {  	s7 =	sshll.u32 @!p0 s1, $0xE  }
0xb0: {  	s7 =	sor.u32 @!p0 $0x4000, s7;
	s6 =	simm.s32 @!p0 $0x1B8D  }
0xb1: {  	s5 =	sshll.u32 @!p0 s5, $0x11;
	s7 =	sadd.s32 @!p0 $0x11B8D, s7;
	_ =	swait.eq @!p0 [sflag:s6], $0x1  }
0xb2: {  	s5 =	sor.u32 @!p0 s5, s7;
	[sflag:s6] =	ssyncadd.s32 @!p0 $0xFFFFFFFF  }
0xb3: {  	s25 =	simm.s32 $0x1B8E;
	s24 =	sld [smem:$0x3FFE];
	[sflag:s5] =	ssyncadd.remote.s32 @!p0 $0x1  }
0xb4: {  	s26 =	simm.s32 $execute0_lowered;
	[smem:$0x3FD2] =	sst s25  }
0xb5: {  	s6 =	sshll.u32 s26, $0x1;
	_ =	strace $0x80000049;
	[dreg:$0x1] =	wrdreg $0xFFFFFFFF  }
0xb6: {  	s28 =	simm.s32 $_size_execute0_lowered;
	s4 =	sadd.s32 s4, s6;
	[dreg:$0x0] =	wrdreg $0x0  }
0xb7: {  	s6 =	sshll.u32 s28, $0x1;
	[dreg:$0x2] =	wrdreg s4  }
0xb8: {  	[dreg:$0x3] =	wrdreg s6  }
0xb9: {  	[dreg:$0x4] =	wrdreg $0xC0  }
0xba: {  	_ =	task [dreg:s22], $0x5FFFF  }
0xbb: {  	[dreg:$0x1] =	wrdreg $0xFFFFFFFF  }
0xbc: {  	[dreg:$0x0] =	wrdreg $0x60  }
0xbd: {  	[dreg:$0x2] =	wrdreg s18  }
0xbe: {  	[dreg:$0x3] =	wrdreg s24  }
0xbf: {  	[dreg:$0x4] =	wrdreg $0x0  }
0xc0: {  	[dreg:$0x5] =	wrdreg $0xB  }
0xc1: {  	_ =	task.clear_ibuf [dreg:s22], $0x6FFFF;
	_ =	strace $0x90000049  }
0xc2: {  	s29 =	simm.s32 $0xB;
	_ =	strace $0x8000004B  }
0xc3: {  	_ =	swait.ge [sflag:s29], $0x1  }
0xc4: {  	[sflag:s29] =	ssyncadd.s32 $0xFFFFFFFF  }
0xc5: {  	_ =	strace $0x9000004B  }
0xc6: {  	_ =	sfence  }
0xc7: {  	s30 =	sld [smem:$0x0];
	_ =	sdelay $0x2  }
0xc8: {  	s31 =	sshll.u32 s1, $0xD;
	s1 =	sshrl.u32 s1, $0x2  }
0xc9: {  	s4 =	sand.u32 $0x4000, s31;
	s1 =	sadd.s32 s1, s30  }
0xca: {  	s0 =	sor.u32 s4, s0;
	s1 =	sshll.u32 s1, $0x11  }
0xcb: {  	s0 =	sor.u32 s1, s0  }
0xcc: {  	s0 =	sadd.s32 $0x8F2B, s0  }
0xcd: {  	[sflag:s0] =	ssyncadd.remote.s32 $0x1  }
0xce: {  	_ =	sfence.sel $0xFFFF  }
0xcf: {  	[dreg:$0x0] =	wrdreg $0xFFFFFFFF;
	(pc) =	sbr.abs _section_cstart, $3  }
0xd0: {  	[dreg:$0x1] =	wrdreg $0xFFFFFFFF  }
0xd1: {  	_ =	task.clear_ibuf [dreg:s22], $0x2FFFF;
	_ =	strace $0x9FFFFFFF  }
0xd2: {  	(tm) =	ssettm $0x7FFFFFFF  }
0xd3: {  	_ =	shalt  }
tec
execute0_lowered:
.L_overlay_start_1:
0x0: {  	(tag) =	ssettag $0x1  }
0x1: {  	s1 =	rddreg [dreg:$0x0]  }
0x2: {  	s6 =	rddreg [dreg:$0x1]  }
0x3: {  	s2 =	rddreg [dreg:$0x2]  }
0x4: {  	s4 =	srdreg.scid;
	s0 =	rddreg [dreg:$0x3]  }
0x5: {  	s3 =	simm.s32 $0x0;
	s16 =	simm.s32 $0x80;
	s7 =	sand.u32 $0x1, s4  }
0x6: {  	s17 =	simm.s32 $0x13D00;
	s4 =	stileid.u32;
	s5 =	smul.u32 $0x4F00, s7  }
0x7: {  	s18 =	simm.s32 $0x1;
	s21 =	simm.s32 $0x0;
	s8 =	smul.u32 $0x4F000, s4  }
0x8: {  	[smem:$0x7FF] =	sst s3;
	s25 =	ssub.s32 $0x2, s7;
	s7 =	smul.u32 $0x138800, s7  }
0x9: {  	s10 =	sadd.s32 $0x2F000, s6;
	s19 =	sadd.s32 $0x124800, s2;
	s12 =	smul.u32 $0x13800, s4  }
0xa: {  	_ =	strace $0x8000004A;
	s26 =	sshll.u32 s4, $0x6;
	s29 =	smul.u32 $0x4E000, s4  }
0xb: {  	s15 =	smul.u32 $0x4F0, s4;
	p0 =	seq.s32 s4, $0xF;
	s11 =	sshrl.u32 s25, $0x1  }
0xc: {  	s19 =	sshrl.u32 @p0 s19, $0x3;
	s9 =	sadd.s32 s5, s6;
	s5 =	sadd.s32 $0x2A000, s6  }
0xd: {  	s8 =	sshrl.u32 s8, $0x2;
	s11 =	ssub.s32 s25, s11;
	s6 =	sor.u32 $0x1C02, s26  }
0xe: {  	s28 =	sadd.s32 s12, s7;
	s14 =	sshrl.u32 s7, $0x3;
	s30 =	sshrl.u32 s29, $0x2  }
0xf: {  	s13 =	sadd.s32 s8, s2;
	s8 =	sshrl.u32 s28, $0x3;
	s20 =	sadd.s32 s30, s2  }
0x10: {  	s31 =	sadd.s32 s15, s9;
	s9 =	smax.u32 s11, $0x1;
	s15 =	simm.s32 $0x13C80  }
0x11: {  	s7 =	sadd.s32 s10, s8;
	s10 =	sadd.s32 s10, s14;
	s11 =	sadd.s32 $0x1F400, s31  }
0x12: {  	s12 =	sshrl.u32 s13, $0x3;
	s13 =	simm.s32 $0x2;
	s14 =	simm.s32 $0x13C00  }
0x13: {  	s20 =	sshrl.u32 @!p0 s20, $0x3;
	s8 =	sadd.s32 $0x24900, s10;
	s10 =	sadd.s32 $0x15600, s31  }
.LBB2_1:
0x14: {  	[spmem:s12], [sflag:s6] =	dma.local [hbm:s5], $0x2780  }
0x15: {  	_ =	swait.ge [sflag:s13], $0x2780  }
0x16: {  	[sflag:s13] =	ssyncset.done $0x0  }
0x17: {  	[sflag:s13] =	ssyncadd.s32 $0xFFFFD880  }
0x18: {  	s22 =	sadd.s32 $0x0, s11;
	[bflag:$0x0] =	sbarrier.arrive $0xFFFF  }
0x19: {  	[tilespmem:s14], [sflag:$0x2] =	stream.linear.gather [hbm4b:s22+s3], $0x80, $0x38;
	[tilespmem:$0x17D00] =	vst v63  }
0x1a: {  	_ =	swait.ge [sflag:s13], $0x80  }
0x1b: {  	[sflag:s13] =	ssyncset.done $0x0  }
0x1c: {  	s31 =	sadd.s32 $0x0, s10;
	[sflag:s13] =	ssyncadd.s32 $0xFFFFFF80  }
0x1d: {  	[tilespmem:s15], [sflag:$0x2] =	stream.linear.gather [hbm4b:s31+s3], $0x80, $0x38;
	[tilespmem:$0x17D00] =	vst v63  }
0x1e: {  	_ =	swait.ge [sflag:s13], $0x80  }
0x1f: {  	[sflag:s13] =	ssyncset.done $0x0  }
0x20: {  	[sflag:s13] =	ssyncadd.s32 $0xFFFFFF80  }
0x21: {  	[tilespmem:s17], [sflag:$0x1] =	stream.indirect.gather [hbm4b:s1+s16], $0x80, s14, s16, $0xb8;
	[tilespmem:$0x17D00] =	vst v63  }
0x22: {  	_ =	swait.ge [sflag:s18], $0x4000  }
0x23: {  	[sflag:s18] =	ssyncset.done $0x0  }
0x24: {  	[sflag:s18] =	ssyncadd.s32 $0xFFFFC000  }
0x25: {  	[spmem:s2] =	stream.indirect.scatter.add.f32 [tilespmem:s17], [sflag:$0x2], $0x80, s15, s16, $0xb8;
	[tilespmem:$0x17D00] =	vst v63  }
0x26: {  	_ =	swait.ge [sflag:s13], $0x4000  }
0x27: {  	s23 =	simm.s32 $0x20;
	s22 =	simm.s32 $0x10;
	[sflag:s13] =	ssyncset.done $0x0  }
.LBB2_2:
0x28: {  	s24 =	sadd.s32 s22, s11  }
0x29: {  	[sflag:s13] =	ssyncadd.s32 $0xFFFFC000;
	s25 =	smov.u32 s23;
	s26 =	sadd.s32 $0x10, s23  }
0x2a: {  	[tilespmem:s14], [sflag:$0x2] =	stream.linear.gather [hbm4b:s24+s3], $0x80, $0x38;
	[tilespmem:$0x17D00] =	vst v63  }
0x2b: {  	p1 =	sne.s32 s23, $0x4E0;
	_ =	swait.ge [sflag:s13], $0x80  }
0x2c: {  	[sflag:s13] =	ssyncset.done $0x0  }
0x2d: {  	s23 =	sadd.s32 s22, s10;
	s22 =	smov.u32 s25;
	[sflag:s13] =	ssyncadd.s32 $0xFFFFFF80  }
0x2e: {  	[tilespmem:s15], [sflag:$0x2] =	stream.linear.gather [hbm4b:s23+s3], $0x80, $0x38;
	[tilespmem:$0x17D00] =	vst v63  }
0x2f: {  	_ =	swait.ge [sflag:s13], $0x80  }
0x30: {  	[sflag:s13] =	ssyncset.done $0x0  }
0x31: {  	[sflag:s13] =	ssyncadd.s32 $0xFFFFFF80  }
0x32: {  	[tilespmem:s17], [sflag:$0x1] =	stream.indirect.gather [hbm4b:s1+s16], $0x80, s14, s16, $0xb8;
	[tilespmem:$0x17D00] =	vst v63  }
0x33: {  	_ =	swait.ge [sflag:s18], $0x4000  }
.Ltmp0:
0x34: {  	[sflag:s18] =	ssyncset.done $0x0;
	(pc) =	sbr.rel @p1 .LBB2_2-.Ltmp0, $4  }
0x35: {  	[sflag:s18] =	ssyncadd.s32 $0xFFFFC000  }
0x36: {  	[spmem:s2] =	stream.indirect.scatter.add.f32 [tilespmem:s17], [sflag:$0x2], $0x80, s15, s16, $0xb8;
	[tilespmem:$0x17D00] =	vst v63  }
0x37: {  	_ =	swait.ge [sflag:s13], $0x4000  }
0x38: {  	s23 =	smov.u32 s26;
	[sflag:s13] =	ssyncset.done $0x0  }
0x39: {  	s23 =	sadd.s32 s22, s11;
	[sflag:s13] =	ssyncadd.s32 $0xFFFFC000  }
0x3a: {  	[tilespmem:s14], [sflag:$0x2] =	stream.linear.gather [hbm4b:s23+s3], $0x80, $0x38;
	[tilespmem:$0x17D00] =	vst v63  }
0x3b: {  	_ =	swait.ge [sflag:s13], $0x80  }
0x3c: {  	[sflag:s13] =	ssyncset.done $0x0  }
0x3d: {  	s31 =	sadd.s32 s22, s10;
	[sflag:s13] =	ssyncadd.s32 $0xFFFFFF80  }
0x3e: {  	[tilespmem:s15], [sflag:$0x2] =	stream.linear.gather [hbm4b:s31+s3], $0x80, $0x38;
	[tilespmem:$0x17D00] =	vst v63  }
0x3f: {  	_ =	swait.ge [sflag:s13], $0x80  }
0x40: {  	[sflag:s13] =	ssyncset.done $0x0  }
0x41: {  	[sflag:s13] =	ssyncadd.s32 $0xFFFFFF80  }
0x42: {  	[tilespmem:s17], [sflag:$0x1] =	stream.indirect.gather [hbm4b:s1+s16], $0x80, s14, s16, $0xb8;
	[tilespmem:$0x17D00] =	vst v63  }
0x43: {  	_ =	swait.ge [sflag:s18], $0x4000  }
0x44: {  	[sflag:s18] =	ssyncset.done $0x0  }
0x45: {  	[sflag:s18] =	ssyncadd.s32 $0xFFFFC000  }
0x46: {  	[spmem:s2] =	stream.indirect.scatter.add.f32 [tilespmem:s17], [sflag:$0x2], $0x80, s15, s16, $0xb8;
	[tilespmem:$0x17D00] =	vst v63  }
0x47: {  	_ =	swait.ge [sflag:s13], $0x4000  }
0x48: {  	[sflag:s13] =	ssyncset.done $0x0  }
0x49: {  	[sflag:s13] =	ssyncadd.s32 $0xFFFFC000  }
0x4a: {  	s22 =	simm.s32 @p0 $0x2;
	[bflag:$0x0] =	sbarrier.arrive $0xFFFF  }
0x4b: {  	[hbm:s8], [sflag:s6] =	dma.local @p0 [spmem:s19], $0x2800  }
0x4c: {  	s21 =	sadd.s32 $0x1, s21;
	_ =	swait.ge @p0 [sflag:s22], $0x2800  }
0x4d: {  	p1 =	sne.s32 s21, s9;
	[sflag:s22] =	ssyncset.done @p0 $0x0  }
.Ltmp1:
0x4e: {  	[sflag:s22] =	ssyncadd.s32 @p0 $0xFFFFD800;
	s22 =	simm.s32 @!p0 $0x2;
	(pc) =	sbr.rel @p1 .LBB2_1-.Ltmp1, $4  }
0x4f: {  	[hbm:s7], [sflag:s6] =	dma.local @!p0 [spmem:s20], $0x2700  }
0x50: {  	_ =	swait.ge @!p0 [sflag:s22], $0x2700  }
0x51: {  	[sflag:s22] =	ssyncset.done @!p0 $0x0  }
0x52: {  	[sflag:s22] =	ssyncadd.s32 @!p0 $0xFFFFD900  }
0x53: {  	_ =	sfence.sel $0x180000  }
0x54: {  	[bflag:$0x0] =	sbarrier.arrive $0xFFFF  }
0x55: {  	p0 =	sne.s32 s4, $0x0;
	_ =	strace $0x9000004A  }
0x56: {  	s0 =	sadd.s32 @!p0 $0x100000, s0;
	[bflag:$0x2] =	sbarrier.arrive $0xFFFF  }
0x57: {  	[sflag:s0] =	ssyncadd.tile.s32 @!p0 $0x1;
	_ =	shalt  }
.Lfunc_end2:
_tile_overlayer_lowered:
.L_overlay_start_2:
0x58: {  	(tag) =	ssettag $0x2  }
0x59: {  	s0 =	rddreg [dreg:$0x0];
	s2 =	stileid.u32  }
0x5a: {  	s1 =	rddreg [dreg:$0x1];
	p0 =	sne.s32 s2, $0x0  }
0x5b: {  	s3 =	rddreg [dreg:$0x2];
	[bflag:$0x3] =	sbarrier.arrive $0xFFFF;
	s2 =	simm.s32 @!p0 $0x1C02  }
0x5c: {  	[timem:s3], [sflag:s2] =	dma.local @!p0 [hbm:s0], s1  }
0x5d: {  	s0 =	simm.s32 @!p0 $0x2  }
0x5e: {  	_ =	swait.ge @!p0 [sflag:s0], s1  }
0x5f: {  	s1 =	ssub.s32 @!p0 $0x0, s1;
	[sflag:s0] =	ssyncset.done @!p0 $0x0  }
0x60: {  	[sflag:s0] =	ssyncadd.s32 @!p0 s1  }
0x61: {  	[bflag:$0x3] =	sbarrier.arrive $0xFFFF  }
0x62: {  	_ =	shalt  }

// kernel: kernel.7.cloned.1.call-start
scs
__scs_entry_jumppad:
0x0: {  	(pc) =	sbr.rel $0x88, $3  }
0x1: {  	(tag) =	ssettag $0x0;
	lr =	simm.s32 $0x1  }
0x2: {  	[smem:$0x3F96] =	sst lr;
	_ =	strace $0xD0000000  }
0x3: {  	_ = 	snop  }
0x4: {  	_ = 	snop  }
0x5: {  	_ = 	snop  }
0x6: {  	_ = 	snop  }
0x7: {  	_ = 	snop  }
__scs_overlays_trampoline_lowered:
0x8: {  	[smem:$0x3FA5] =	sst s0  }
0x9: {  	[smem:$0x3FA6] =	sst s1  }
0xa: {  	[smem:$0x3FA7] =	sst s2  }
0xb: {  	[smem:$0x3FA8] =	sst s3  }
0xc: {  	[smem:$0x3FA9] =	sst s4  }
0xd: {  	[smem:$0x3FAA] =	sst s5  }
0xe: {  	[smem:$0x3FAB] =	sst s6  }
0xf: {  	[smem:$0x3FAC] =	sst s7  }
0x10: {  	[smem:$0x3FAD] =	sst s8  }
0x11: {  	[smem:$0x3FAE] =	sst s9;
	s0 =	simm.s32 @!p0 $0x0  }
0x12: {  	s1 =	sld [smem:$0x3F94];
	s0 =	simm.s32 @p0 $0x1  }
0x13: {  	[smem:$0x3FAF] =	sst s0;
	s0 =	simm.s32 @!p1 $0x0  }
0x14: {  	s2 =	sld [smem:$0x3F93];
	s0 =	simm.s32 @p1 $0x1  }
0x15: {  	[smem:$0x3FB0] =	sst s0;
	s0 =	simm.s32 @!p2 $0x0  }
0x16: {  	s3 =	sld [smem:$0x3FDB];
	s0 =	simm.s32 @p2 $0x1  }
0x17: {  	s4 =	simm.s32 $0x1BF5;
	[smem:$0x3FB2] =	sst s0  }
0x18: {  	s0 =	sld [smem:$0x3F95];
	_ =	swait.ge [sflag:s4], $0x0  }
0x19: {  	s7 =	sld [smem:$0x3F96]  }
0x1a: {  	s8 =	sadd.s32 $0xFFFFE003, lr  }
0x1b: {  	s9 =	sadd.s32 $0xFFFFFEF7, lr;
	s5 =	simm.s32 $0xFFFFFFFF;
	p2 =	slt.u32 s8, $0xFFFFF086  }
0x1c: {  	p1 =	slt.u32 s9, $0xF7A;
	s5 =	simm.s32 @!p2 $0x0  }
0x1d: {  	s5 =	simm.s32 @p1 $0x1;
	p0 =	seq.s32 s7, s2  }
0x1e: {  	s7 =	smul.u32 @!p0 $0xF7A, s2;
	p2 =	seq.s32 @!p0 s5, $0x0  }
0x1f: {  	s9 =	smul.u32 $0xF7A, s1;
	s8 =	simm.s32 @!p0 $0x1BF5;
	p2 =	por !p2, p0  }
0x20: {  	[sflag:s8] =	ssyncset.s32 @!p0 $0xFFFFF086;
	s6 =	sadd.s32 @!p0 s3, s7;
	s7 =	simm.s32 @!p0 $0x108  }
0x21: {  	s3 =	sadd.s32 s3, s9;
	s6 =	sadd.s32 @!p0 $0x88, s6;
	s7 =	simm.s32 @p2 $0x1082  }
0x22: {  	[simem:s7], [sflag:s8] =	dma.local @!p0 [hbm:s6], $0xF7A  }
0x23: {  	s9 =	sor.u32 $0xD0000000, s2;
	s6 =	simm.s32 $0x108;
	_ =	swait.ge @!p0 [sflag:s8], $0x0  }
0x24: {  	s3 =	sadd.s32 $0x88, s3;
	s6 =	simm.s32 @!p1 $0x1082;
	[sflag:s4] =	ssyncset.s32 $0xFFFFF086  }
0x25: {  	[simem:s6], [sflag:s4] =	dma.local [hbm:s3], $0xF7A  }
0x26: {  	[smem:$0x3F96] =	sst s1;
	(tag) =	ssettag s2;
	_ =	strace s9  }
0x27: {  	s1 =	sld [smem:$0x3FA6]  }
0x28: {  	s2 =	sld [smem:$0x3FA7]  }
0x29: {  	s4 =	sld [smem:$0x3FA9]  }
0x2a: {  	p0 =	seq.s32 s5, $0x0;
	s5 =	sld [smem:$0x3FAA]  }
0x2b: {  	s6 =	sld [smem:$0x3FAB]  }
0x2c: {  	s7 =	sld [smem:$0x3FAC]  }
0x2d: {  	s3 =	simm.s32 $0x108;
	s8 =	sld [smem:$0x3FAD]  }
0x2e: {  	s3 =	simm.s32 @!p0 $0x1082;
	s9 =	sld [smem:$0x3FAE]  }
0x2f: {  	lr =	sadd.s32 s0, s3;
	s0 =	sld [smem:$0x3FA5]  }
0x30: {  	s3 =	sld [smem:$0x3FA8]  }
0x31: {  	[smem:$0x3FB1] =	sst s10  }
0x32: {  	s10 =	sld [smem:$0x3FAF];
	_ =	sdelay $0x3  }
0x33: {  	p0 =	seq.s32 s10, $0x1;
	s10 =	sld [smem:$0x3FB1];
	_ =	sdelay $0x3  }
0x34: {  	[smem:$0x3FB1] =	sst s10  }
0x35: {  	s10 =	sld [smem:$0x3FB0];
	_ =	sdelay $0x3  }
0x36: {  	p1 =	seq.s32 s10, $0x1;
	s10 =	sld [smem:$0x3FB1];
	_ =	sdelay $0x3  }
0x37: {  	[smem:$0x3FB1] =	sst s10  }
0x38: {  	s10 =	sld [smem:$0x3FB2]  }
0x39: {  	_ = 	snop;
	(pc) =	sbr.ind lr, $3  }
0x3a: {  	_ = 	snop  }
0x3b: {  	_ = 	snop  }
0x3c: {  	p2 =	seq.s32 s10, $0x1;
	s10 =	sld [smem:$0x3FB1]  }
0x3d: {  	_ =	shalt  }
0x3e: {  	_ =	shalt  }
0x3f: {  	_ =	shalt  }
0x40: {  	_ =	shalt  }
0x41: {  	_ =	shalt  }
0x42: {  	_ =	shalt  }
0x43: {  	_ =	shalt  }
0x44: {  	_ =	shalt  }
0x45: {  	_ =	shalt  }
0x46: {  	_ =	shalt  }
0x47: {  	_ =	shalt  }
0x48: {  	_ =	shalt  }
0x49: {  	_ =	shalt  }
0x4a: {  	_ =	shalt  }
0x4b: {  	_ =	shalt  }
0x4c: {  	_ =	shalt  }
0x4d: {  	_ =	shalt  }
0x4e: {  	_ =	shalt  }
0x4f: {  	_ =	shalt  }
0x50: {  	_ =	shalt  }
0x51: {  	_ =	shalt  }
0x52: {  	_ =	shalt  }
0x53: {  	_ =	shalt  }
0x54: {  	_ =	shalt  }
0x55: {  	_ =	shalt  }
0x56: {  	_ =	shalt  }
0x57: {  	_ =	shalt  }
0x58: {  	_ =	shalt  }
0x59: {  	_ =	shalt  }
0x5a: {  	_ =	shalt  }
0x5b: {  	_ =	shalt  }
0x5c: {  	_ =	shalt  }
0x5d: {  	_ =	shalt  }
0x5e: {  	_ =	shalt  }
0x5f: {  	_ =	shalt  }
0x60: {  	_ =	shalt  }
0x61: {  	_ =	shalt  }
0x62: {  	_ =	shalt  }
0x63: {  	_ =	shalt  }
0x64: {  	_ =	shalt  }
0x65: {  	_ =	shalt  }
0x66: {  	_ =	shalt  }
0x67: {  	_ =	shalt  }
0x68: {  	_ =	shalt  }
0x69: {  	_ =	shalt  }
0x6a: {  	_ =	shalt  }
0x6b: {  	_ =	shalt  }
0x6c: {  	_ =	shalt  }
0x6d: {  	_ =	shalt  }
0x6e: {  	_ =	shalt  }
0x6f: {  	_ =	shalt  }
0x70: {  	_ =	shalt  }
0x71: {  	_ =	shalt  }
0x72: {  	_ =	shalt  }
0x73: {  	_ =	shalt  }
0x74: {  	_ =	shalt  }
0x75: {  	_ =	shalt  }
0x76: {  	_ =	shalt  }
0x77: {  	_ =	shalt  }
0x78: {  	_ =	shalt  }
0x79: {  	_ =	shalt  }
0x7a: {  	_ =	shalt  }
0x7b: {  	_ =	shalt  }
0x7c: {  	_ =	shalt  }
0x7d: {  	_ =	shalt  }
0x7e: {  	_ =	shalt  }
0x7f: {  	_ =	shalt  }
0x80: {  	_ =	shalt  }
0x81: {  	_ =	shalt  }
0x82: {  	_ =	shalt  }
0x83: {  	_ =	shalt  }
0x84: {  	_ =	shalt  }
0x85: {  	_ =	shalt  }
0x86: {  	_ =	shalt  }
0x87: {  	_ =	shalt  }
.Lfunc_end0:
.L_simem_size_0:
called_computation.1_lowered:
.L_overlay_start_0:
0x88: {  	s2 =	sld [smem:$0x3FD9]  }
0x89: {  	s3 =	sld [smem:$0x3FFE];
	_ =	sdelay $0x1  }
0x8a: {  	s1 =	srdreg.scid  }
0x8b: {  	s0 =	sand.u32 $0x1, s1  }
0x8c: {  	s17 =	sshll.u32 s0, $0xA;
	s2 =	sadd.s32 s3, s2  }
0x8d: {  	s2 =	sadd.s32 s2, s17  }
0x8e: {  	[smem:$0x3FBD] =	sst s2  }
0x8f: {  	_ = 	snop  }
0x90: {  	s18 =	sld [smem:$0x3FC8];
	(tm) =	ssettm $0x1  }
0x91: {  	s19 =	sld [smem:$0x3FFB];
	_ =	sdelay $0x3  }
0x92: {  	_ =	strace s19  }
0x93: {  	s2 =	sld [smem:$0x3FFC];
	_ =	sdelay $0x3  }
0x94: {  	_ =	strace s2  }
0x95: {  	s2 =	sld [smem:$0x3FFD];
	_ =	sdelay $0x3  }
0x96: {  	_ =	strace s2  }
0x97: {  	_ =	strace $0x8FFFFFFF  }
0x98: {  	s20 =	sld [smem:$0x3FDB];
	_ =	sdelay $0x1  }
0x99: {  	s4 =	simm.s32 $_scs_section_size  }
0x9a: {  	s5 =	simm.s32 $_size__tile_overlayer_lowered;
	s6 =	simm.s32 $_tile_overlayer_lowered  }
0x9b: {  	s7 =	simm.s32 $0x1BFF;
	s21 =	sshll.u32 s6, $0x1;
	s4 =	sadd.s32 s4, s20  }
0x9c: {  	s22 =	simm.s32 $0x0;
	s5 =	sshll.u32 s5, $0x1;
	s6 =	sadd.s32 s21, s4  }
0x9d: {  	[timem:s22], [sflag:s7] =	dma.local [hbm:s6], s5  }
0x9e: {  	_ =	swait.ge [sflag:s7], s5  }
0x9f: {  	s5 =	ssub.s32 $0x0, s5;
	[sflag:s7] =	ssyncset.done $0x0  }
0xa0: {  	[sflag:s7] =	ssyncadd.s32 s5;
	_ =	sdelay $0x1  }
0xa1: {  	s23 =	simm.s32 $0x1B8B  }
0xa2: {  	_ =	swait.ge [sflag:s23], $0x1  }
0xa3: {  	[sflag:s23] =	ssyncset.done $0x0  }
0xa4: {  	[sflag:s23] =	ssyncadd.s32 $0xFFFFFFFF  }
0xa5: {  	s5 =	sld [smem:$0x0]  }
0xa6: {  	s6 =	sand.u32 $0xFFFFFFFE, s1  }
0xa7: {  	p0 =	sne.s32 s1, s6  }
0xa8: {  	s6 =	sshll.u32 @p0 s6, $0xE  }
0xa9: {  	s6 =	sadd.s32 @p0 $0x11B8D, s6;
	s7 =	sshll.u32 @p0 s5, $0x11  }
0xaa: {  	s6 =	sor.u32 @p0 s7, s6  }
0xab: {  	[sflag:s6] =	ssyncadd.remote.s32 @p0 $0x1;
	_ =	sdelay $0x1  }
0xac: {  	s6 =	simm.s32 @p0 $0x1B8D  }
0xad: {  	_ =	swait.eq @p0 [sflag:s6], $0x1  }
0xae: {  	[sflag:s6] =	ssyncadd.s32 @p0 $0xFFFFFFFF  }
0xaf: {  	s7 =	sshll.u32 @!p0 s1, $0xE  }
0xb0: {  	s7 =	sor.u32 @!p0 $0x4000, s7;
	s6 =	simm.s32 @!p0 $0x1B8D  }
0xb1: {  	s5 =	sshll.u32 @!p0 s5, $0x11;
	s7 =	sadd.s32 @!p0 $0x11B8D, s7;
	_ =	swait.eq @!p0 [sflag:s6], $0x1  }
0xb2: {  	s5 =	sor.u32 @!p0 s5, s7;
	[sflag:s6] =	ssyncadd.s32 @!p0 $0xFFFFFFFF  }
0xb3: {  	s25 =	simm.s32 $0x1B8E;
	s24 =	sld [smem:$0x3FFE];
	[sflag:s5] =	ssyncadd.remote.s32 @!p0 $0x1  }
0xb4: {  	s26 =	simm.s32 $execute0_lowered;
	[smem:$0x3FD2] =	sst s25  }
0xb5: {  	s6 =	sshll.u32 s26, $0x1;
	_ =	strace $0x8000004C;
	[dreg:$0x1] =	wrdreg $0xFFFFFFFF  }
0xb6: {  	s28 =	simm.s32 $_size_execute0_lowered;
	s4 =	sadd.s32 s4, s6;
	[dreg:$0x0] =	wrdreg $0x0  }
0xb7: {  	s6 =	sshll.u32 s28, $0x1;
	[dreg:$0x2] =	wrdreg s4  }
0xb8: {  	[dreg:$0x3] =	wrdreg s6  }
0xb9: {  	[dreg:$0x4] =	wrdreg $0xC0  }
0xba: {  	_ =	task [dreg:s22], $0x5FFFF  }
0xbb: {  	[dreg:$0x1] =	wrdreg $0xFFFFFFFF  }
0xbc: {  	[dreg:$0x0] =	wrdreg $0x60  }
0xbd: {  	[dreg:$0x2] =	wrdreg s18  }
0xbe: {  	[dreg:$0x3] =	wrdreg s24  }
0xbf: {  	[dreg:$0x4] =	wrdreg $0x0  }
0xc0: {  	[dreg:$0x5] =	wrdreg $0xA  }
0xc1: {  	_ =	task.clear_ibuf [dreg:s22], $0x6FFFF;
	_ =	strace $0x9000004C  }
0xc2: {  	s29 =	simm.s32 $0xA;
	_ =	strace $0x8000004E  }
0xc3: {  	_ =	swait.ge [sflag:s29], $0x1  }
0xc4: {  	[sflag:s29] =	ssyncadd.s32 $0xFFFFFFFF  }
0xc5: {  	_ =	strace $0x9000004E  }
0xc6: {  	_ =	sfence  }
0xc7: {  	s30 =	sld [smem:$0x0];
	_ =	sdelay $0x2  }
0xc8: {  	s31 =	sshll.u32 s1, $0xD;
	s1 =	sshrl.u32 s1, $0x2  }
0xc9: {  	s4 =	sand.u32 $0x4000, s31;
	s1 =	sadd.s32 s1, s30  }
0xca: {  	s0 =	sor.u32 s4, s0;
	s1 =	sshll.u32 s1, $0x11  }
0xcb: {  	s0 =	sor.u32 s1, s0  }
0xcc: {  	s0 =	sadd.s32 $0x8F2B, s0  }
0xcd: {  	[sflag:s0] =	ssyncadd.remote.s32 $0x1  }
0xce: {  	_ =	sfence.sel $0xFFFF  }
0xcf: {  	[dreg:$0x0] =	wrdreg $0xFFFFFFFF;
	(pc) =	sbr.abs _section_cstart, $3  }
0xd0: {  	[dreg:$0x1] =	wrdreg $0xFFFFFFFF  }
0xd1: {  	_ =	task.clear_ibuf [dreg:s22], $0x2FFFF;
	_ =	strace $0x9FFFFFFF  }
0xd2: {  	(tm) =	ssettm $0x7FFFFFFF  }
0xd3: {  	_ =	shalt  }
tec
execute0_lowered:
.L_overlay_start_1:
0x0: {  	(tag) =	ssettag $0x1  }
0x1: {  	s1 =	rddreg [dreg:$0x0]  }
0x2: {  	s6 =	rddreg [dreg:$0x1]  }
0x3: {  	s2 =	rddreg [dreg:$0x2]  }
0x4: {  	s4 =	srdreg.scid;
	s0 =	rddreg [dreg:$0x3]  }
0x5: {  	s3 =	simm.s32 $0x0;
	s16 =	simm.s32 $0x80;
	s7 =	sand.u32 $0x1, s4  }
0x6: {  	s17 =	simm.s32 $0x13D00;
	s4 =	stileid.u32;
	s5 =	smul.u32 $0x4F00, s7  }
0x7: {  	s18 =	simm.s32 $0x1;
	s21 =	simm.s32 $0x0;
	s8 =	smul.u32 $0x4F000, s4  }
0x8: {  	[smem:$0x7FF] =	sst s3;
	s25 =	ssub.s32 $0x2, s7;
	s7 =	smul.u32 $0x138800, s7  }
0x9: {  	s10 =	sadd.s32 $0x7D200, s6;
	s19 =	sadd.s32 $0x124800, s2;
	s12 =	smul.u32 $0x13800, s4  }
0xa: {  	_ =	strace $0x8000004D;
	s26 =	sshll.u32 s4, $0x6;
	s29 =	smul.u32 $0x4E000, s4  }
0xb: {  	s15 =	smul.u32 $0x4F0, s4;
	p0 =	seq.s32 s4, $0xF;
	s11 =	sshrl.u32 s25, $0x1  }
0xc: {  	s19 =	sshrl.u32 @p0 s19, $0x3;
	s9 =	sadd.s32 s5, s6;
	s5 =	sadd.s32 $0x2A000, s6  }
0xd: {  	s8 =	sshrl.u32 s8, $0x2;
	s11 =	ssub.s32 s25, s11;
	s6 =	sor.u32 $0x1C02, s26  }
0xe: {  	s28 =	sadd.s32 s12, s7;
	s14 =	sshrl.u32 s7, $0x3;
	s30 =	sshrl.u32 s29, $0x2  }
0xf: {  	s13 =	sadd.s32 s8, s2;
	s8 =	sshrl.u32 s28, $0x3;
	s20 =	sadd.s32 s30, s2  }
0x10: {  	s31 =	sadd.s32 s15, s9;
	s9 =	smax.u32 s11, $0x1;
	s15 =	simm.s32 $0x13C80  }
0x11: {  	s7 =	sadd.s32 s10, s8;
	s10 =	sadd.s32 s10, s14;
	s11 =	sadd.s32 $0x1F400, s31  }
0x12: {  	s12 =	sshrl.u32 s13, $0x3;
	s13 =	simm.s32 $0x2;
	s14 =	simm.s32 $0x13C00  }
0x13: {  	s20 =	sshrl.u32 @!p0 s20, $0x3;
	s8 =	sadd.s32 $0x24900, s10;
	s10 =	sadd.s32 $0x15600, s31  }
.LBB2_1:
0x14: {  	[spmem:s12], [sflag:s6] =	dma.local [hbm:s5], $0x2780  }
0x15: {  	_ =	swait.ge [sflag:s13], $0x2780  }
0x16: {  	[sflag:s13] =	ssyncset.done $0x0  }
0x17: {  	[sflag:s13] =	ssyncadd.s32 $0xFFFFD880  }
0x18: {  	s22 =	sadd.s32 $0x0, s11;
	[bflag:$0x0] =	sbarrier.arrive $0xFFFF  }
0x19: {  	[tilespmem:s14], [sflag:$0x2] =	stream.linear.gather [hbm4b:s22+s3], $0x80, $0x38;
	[tilespmem:$0x17D00] =	vst v63  }
0x1a: {  	_ =	swait.ge [sflag:s13], $0x80  }
0x1b: {  	[sflag:s13] =	ssyncset.done $0x0  }
0x1c: {  	s31 =	sadd.s32 $0x0, s10;
	[sflag:s13] =	ssyncadd.s32 $0xFFFFFF80  }
0x1d: {  	[tilespmem:s15], [sflag:$0x2] =	stream.linear.gather [hbm4b:s31+s3], $0x80, $0x38;
	[tilespmem:$0x17D00] =	vst v63  }
0x1e: {  	_ =	swait.ge [sflag:s13], $0x80  }
0x1f: {  	[sflag:s13] =	ssyncset.done $0x0  }
0x20: {  	[sflag:s13] =	ssyncadd.s32 $0xFFFFFF80  }
0x21: {  	[tilespmem:s17], [sflag:$0x1] =	stream.indirect.gather [hbm4b:s1+s16], $0x80, s14, s16, $0xb8;
	[tilespmem:$0x17D00] =	vst v63  }
0x22: {  	_ =	swait.ge [sflag:s18], $0x4000  }
0x23: {  	[sflag:s18] =	ssyncset.done $0x0  }
0x24: {  	[sflag:s18] =	ssyncadd.s32 $0xFFFFC000  }
0x25: {  	[spmem:s2] =	stream.indirect.scatter.add.f32 [tilespmem:s17], [sflag:$0x2], $0x80, s15, s16, $0xb8;
	[tilespmem:$0x17D00] =	vst v63  }
0x26: {  	_ =	swait.ge [sflag:s13], $0x4000  }
0x27: {  	s23 =	simm.s32 $0x20;
	s22 =	simm.s32 $0x10;
	[sflag:s13] =	ssyncset.done $0x0  }
.LBB2_2:
0x28: {  	s24 =	sadd.s32 s22, s11  }
0x29: {  	[sflag:s13] =	ssyncadd.s32 $0xFFFFC000;
	s25 =	smov.u32 s23;
	s26 =	sadd.s32 $0x10, s23  }
0x2a: {  	[tilespmem:s14], [sflag:$0x2] =	stream.linear.gather [hbm4b:s24+s3], $0x80, $0x38;
	[tilespmem:$0x17D00] =	vst v63  }
0x2b: {  	p1 =	sne.s32 s23, $0x4E0;
	_ =	swait.ge [sflag:s13], $0x80  }
0x2c: {  	[sflag:s13] =	ssyncset.done $0x0  }
0x2d: {  	s23 =	sadd.s32 s22, s10;
	s22 =	smov.u32 s25;
	[sflag:s13] =	ssyncadd.s32 $0xFFFFFF80  }
0x2e: {  	[tilespmem:s15], [sflag:$0x2] =	stream.linear.gather [hbm4b:s23+s3], $0x80, $0x38;
	[tilespmem:$0x17D00] =	vst v63  }
0x2f: {  	_ =	swait.ge [sflag:s13], $0x80  }
0x30: {  	[sflag:s13] =	ssyncset.done $0x0  }
0x31: {  	[sflag:s13] =	ssyncadd.s32 $0xFFFFFF80  }
0x32: {  	[tilespmem:s17], [sflag:$0x1] =	stream.indirect.gather [hbm4b:s1+s16], $0x80, s14, s16, $0xb8;
	[tilespmem:$0x17D00] =	vst v63  }
0x33: {  	_ =	swait.ge [sflag:s18], $0x4000  }
.Ltmp0:
0x34: {  	[sflag:s18] =	ssyncset.done $0x0;
	(pc) =	sbr.rel @p1 .LBB2_2-.Ltmp0, $4  }
0x35: {  	[sflag:s18] =	ssyncadd.s32 $0xFFFFC000  }
0x36: {  	[spmem:s2] =	stream.indirect.scatter.add.f32 [tilespmem:s17], [sflag:$0x2], $0x80, s15, s16, $0xb8;
	[tilespmem:$0x17D00] =	vst v63  }
0x37: {  	_ =	swait.ge [sflag:s13], $0x4000  }
0x38: {  	s23 =	smov.u32 s26;
	[sflag:s13] =	ssyncset.done $0x0  }
0x39: {  	s23 =	sadd.s32 s22, s11;
	[sflag:s13] =	ssyncadd.s32 $0xFFFFC000  }
0x3a: {  	[tilespmem:s14], [sflag:$0x2] =	stream.linear.gather [hbm4b:s23+s3], $0x80, $0x38;
	[tilespmem:$0x17D00] =	vst v63  }
0x3b: {  	_ =	swait.ge [sflag:s13], $0x80  }
0x3c: {  	[sflag:s13] =	ssyncset.done $0x0  }
0x3d: {  	s31 =	sadd.s32 s22, s10;
	[sflag:s13] =	ssyncadd.s32 $0xFFFFFF80  }
0x3e: {  	[tilespmem:s15], [sflag:$0x2] =	stream.linear.gather [hbm4b:s31+s3], $0x80, $0x38;
	[tilespmem:$0x17D00] =	vst v63  }
0x3f: {  	_ =	swait.ge [sflag:s13], $0x80  }
0x40: {  	[sflag:s13] =	ssyncset.done $0x0  }
0x41: {  	[sflag:s13] =	ssyncadd.s32 $0xFFFFFF80  }
0x42: {  	[tilespmem:s17], [sflag:$0x1] =	stream.indirect.gather [hbm4b:s1+s16], $0x80, s14, s16, $0xb8;
	[tilespmem:$0x17D00] =	vst v63  }
0x43: {  	_ =	swait.ge [sflag:s18], $0x4000  }
0x44: {  	[sflag:s18] =	ssyncset.done $0x0  }
0x45: {  	[sflag:s18] =	ssyncadd.s32 $0xFFFFC000  }
0x46: {  	[spmem:s2] =	stream.indirect.scatter.add.f32 [tilespmem:s17], [sflag:$0x2], $0x80, s15, s16, $0xb8;
	[tilespmem:$0x17D00] =	vst v63  }
0x47: {  	_ =	swait.ge [sflag:s13], $0x4000  }
0x48: {  	[sflag:s13] =	ssyncset.done $0x0  }
0x49: {  	[sflag:s13] =	ssyncadd.s32 $0xFFFFC000  }
0x4a: {  	s22 =	simm.s32 @p0 $0x2;
	[bflag:$0x0] =	sbarrier.arrive $0xFFFF  }
0x4b: {  	[hbm:s8], [sflag:s6] =	dma.local @p0 [spmem:s19], $0x2800  }
0x4c: {  	s21 =	sadd.s32 $0x1, s21;
	_ =	swait.ge @p0 [sflag:s22], $0x2800  }
0x4d: {  	p1 =	sne.s32 s21, s9;
	[sflag:s22] =	ssyncset.done @p0 $0x0  }
.Ltmp1:
0x4e: {  	[sflag:s22] =	ssyncadd.s32 @p0 $0xFFFFD800;
	s22 =	simm.s32 @!p0 $0x2;
	(pc) =	sbr.rel @p1 .LBB2_1-.Ltmp1, $4  }
0x4f: {  	[hbm:s7], [sflag:s6] =	dma.local @!p0 [spmem:s20], $0x2700  }
0x50: {  	_ =	swait.ge @!p0 [sflag:s22], $0x2700  }
0x51: {  	[sflag:s22] =	ssyncset.done @!p0 $0x0  }
0x52: {  	[sflag:s22] =	ssyncadd.s32 @!p0 $0xFFFFD900  }
0x53: {  	_ =	sfence.sel $0x180000  }
0x54: {  	[bflag:$0x0] =	sbarrier.arrive $0xFFFF  }
0x55: {  	p0 =	sne.s32 s4, $0x0;
	_ =	strace $0x9000004D  }
0x56: {  	s0 =	sadd.s32 @!p0 $0x100000, s0;
	[bflag:$0x2] =	sbarrier.arrive $0xFFFF  }
0x57: {  	[sflag:s0] =	ssyncadd.tile.s32 @!p0 $0x1;
	_ =	shalt  }
.Lfunc_end2:
_tile_overlayer_lowered:
.L_overlay_start_2:
0x58: {  	(tag) =	ssettag $0x2  }
0x59: {  	s0 =	rddreg [dreg:$0x0];
	s2 =	stileid.u32  }
0x5a: {  	s1 =	rddreg [dreg:$0x1];
	p0 =	sne.s32 s2, $0x0  }
0x5b: {  	s3 =	rddreg [dreg:$0x2];
	[bflag:$0x3] =	sbarrier.arrive $0xFFFF;
	s2 =	simm.s32 @!p0 $0x1C02  }
0x5c: {  	[timem:s3], [sflag:s2] =	dma.local @!p0 [hbm:s0], s1  }
0x5d: {  	s0 =	simm.s32 @!p0 $0x2  }
0x5e: {  	_ =	swait.ge @!p0 [sflag:s0], s1  }
0x5f: {  	s1 =	ssub.s32 @!p0 $0x0, s1;
	[sflag:s0] =	ssyncset.done @!p0 $0x0  }
0x60: {  	[sflag:s0] =	ssyncadd.s32 @!p0 s1  }
0x61: {  	[bflag:$0x3] =	sbarrier.arrive $0xFFFF  }
0x62: {  	_ =	shalt  }

// kernel: scatter_offload_async_start
scs
__scs_entry_jumppad:
0x0: {  	(pc) =	sbr.rel $0x88, $3  }
0x1: {  	(tag) =	ssettag $0x0;
	lr =	simm.s32 $0x1  }
0x2: {  	[smem:$0x3F96] =	sst lr;
	_ =	strace $0xD0000000  }
0x3: {  	_ = 	snop  }
0x4: {  	_ = 	snop  }
0x5: {  	_ = 	snop  }
0x6: {  	_ = 	snop  }
0x7: {  	_ = 	snop  }
__scs_overlays_trampoline_lowered:
0x8: {  	[smem:$0x3FA5] =	sst s0  }
0x9: {  	[smem:$0x3FA6] =	sst s1  }
0xa: {  	[smem:$0x3FA7] =	sst s2  }
0xb: {  	[smem:$0x3FA8] =	sst s3  }
0xc: {  	[smem:$0x3FA9] =	sst s4  }
0xd: {  	[smem:$0x3FAA] =	sst s5  }
0xe: {  	[smem:$0x3FAB] =	sst s6  }
0xf: {  	[smem:$0x3FAC] =	sst s7  }
0x10: {  	[smem:$0x3FAD] =	sst s8  }
0x11: {  	[smem:$0x3FAE] =	sst s9;
	s0 =	simm.s32 @!p0 $0x0  }
0x12: {  	s1 =	sld [smem:$0x3F94];
	s0 =	simm.s32 @p0 $0x1  }
0x13: {  	[smem:$0x3FAF] =	sst s0;
	s0 =	simm.s32 @!p1 $0x0  }
0x14: {  	s2 =	sld [smem:$0x3F93];
	s0 =	simm.s32 @p1 $0x1  }
0x15: {  	[smem:$0x3FB0] =	sst s0;
	s0 =	simm.s32 @!p2 $0x0  }
0x16: {  	s3 =	sld [smem:$0x3FDB];
	s0 =	simm.s32 @p2 $0x1  }
0x17: {  	s4 =	simm.s32 $0x1BF5;
	[smem:$0x3FB2] =	sst s0  }
0x18: {  	s0 =	sld [smem:$0x3F95];
	_ =	swait.ge [sflag:s4], $0x0  }
0x19: {  	s7 =	sld [smem:$0x3F96]  }
0x1a: {  	s8 =	sadd.s32 $0xFFFFE003, lr  }
0x1b: {  	s9 =	sadd.s32 $0xFFFFFEF7, lr;
	s5 =	simm.s32 $0xFFFFFFFF;
	p2 =	slt.u32 s8, $0xFFFFF086  }
0x1c: {  	p1 =	slt.u32 s9, $0xF7A;
	s5 =	simm.s32 @!p2 $0x0  }
0x1d: {  	s5 =	simm.s32 @p1 $0x1;
	p0 =	seq.s32 s7, s2  }
0x1e: {  	s7 =	smul.u32 @!p0 $0xF7A, s2;
	p2 =	seq.s32 @!p0 s5, $0x0  }
0x1f: {  	s9 =	smul.u32 $0xF7A, s1;
	s8 =	simm.s32 @!p0 $0x1BF5;
	p2 =	por !p2, p0  }
0x20: {  	[sflag:s8] =	ssyncset.s32 @!p0 $0xFFFFF086;
	s6 =	sadd.s32 @!p0 s3, s7;
	s7 =	simm.s32 @!p0 $0x108  }
0x21: {  	s3 =	sadd.s32 s3, s9;
	s6 =	sadd.s32 @!p0 $0x88, s6;
	s7 =	simm.s32 @p2 $0x1082  }
0x22: {  	[simem:s7], [sflag:s8] =	dma.local @!p0 [hbm:s6], $0xF7A  }
0x23: {  	s9 =	sor.u32 $0xD0000000, s2;
	s6 =	simm.s32 $0x108;
	_ =	swait.ge @!p0 [sflag:s8], $0x0  }
0x24: {  	s3 =	sadd.s32 $0x88, s3;
	s6 =	simm.s32 @!p1 $0x1082;
	[sflag:s4] =	ssyncset.s32 $0xFFFFF086  }
0x25: {  	[simem:s6], [sflag:s4] =	dma.local [hbm:s3], $0xF7A  }
0x26: {  	[smem:$0x3F96] =	sst s1;
	(tag) =	ssettag s2;
	_ =	strace s9  }
0x27: {  	s1 =	sld [smem:$0x3FA6]  }
0x28: {  	s2 =	sld [smem:$0x3FA7]  }
0x29: {  	s4 =	sld [smem:$0x3FA9]  }
0x2a: {  	p0 =	seq.s32 s5, $0x0;
	s5 =	sld [smem:$0x3FAA]  }
0x2b: {  	s6 =	sld [smem:$0x3FAB]  }
0x2c: {  	s7 =	sld [smem:$0x3FAC]  }
0x2d: {  	s3 =	simm.s32 $0x108;
	s8 =	sld [smem:$0x3FAD]  }
0x2e: {  	s3 =	simm.s32 @!p0 $0x1082;
	s9 =	sld [smem:$0x3FAE]  }
0x2f: {  	lr =	sadd.s32 s0, s3;
	s0 =	sld [smem:$0x3FA5]  }
0x30: {  	s3 =	sld [smem:$0x3FA8]  }
0x31: {  	[smem:$0x3FB1] =	sst s10  }
0x32: {  	s10 =	sld [smem:$0x3FAF];
	_ =	sdelay $0x3  }
0x33: {  	p0 =	seq.s32 s10, $0x1;
	s10 =	sld [smem:$0x3FB1];
	_ =	sdelay $0x3  }
0x34: {  	[smem:$0x3FB1] =	sst s10  }
0x35: {  	s10 =	sld [smem:$0x3FB0];
	_ =	sdelay $0x3  }
0x36: {  	p1 =	seq.s32 s10, $0x1;
	s10 =	sld [smem:$0x3FB1];
	_ =	sdelay $0x3  }
0x37: {  	[smem:$0x3FB1] =	sst s10  }
0x38: {  	s10 =	sld [smem:$0x3FB2]  }
0x39: {  	_ = 	snop;
	(pc) =	sbr.ind lr, $3  }
0x3a: {  	_ = 	snop  }
0x3b: {  	_ = 	snop  }
0x3c: {  	p2 =	seq.s32 s10, $0x1;
	s10 =	sld [smem:$0x3FB1]  }
0x3d: {  	_ =	shalt  }
0x3e: {  	_ =	shalt  }
0x3f: {  	_ =	shalt  }
0x40: {  	_ =	shalt  }
0x41: {  	_ =	shalt  }
0x42: {  	_ =	shalt  }
0x43: {  	_ =	shalt  }
0x44: {  	_ =	shalt  }
0x45: {  	_ =	shalt  }
0x46: {  	_ =	shalt  }
0x47: {  	_ =	shalt  }
0x48: {  	_ =	shalt  }
0x49: {  	_ =	shalt  }
0x4a: {  	_ =	shalt  }
0x4b: {  	_ =	shalt  }
0x4c: {  	_ =	shalt  }
0x4d: {  	_ =	shalt  }
0x4e: {  	_ =	shalt  }
0x4f: {  	_ =	shalt  }
0x50: {  	_ =	shalt  }
0x51: {  	_ =	shalt  }
0x52: {  	_ =	shalt  }
0x53: {  	_ =	shalt  }
0x54: {  	_ =	shalt  }
0x55: {  	_ =	shalt  }
0x56: {  	_ =	shalt  }
0x57: {  	_ =	shalt  }
0x58: {  	_ =	shalt  }
0x59: {  	_ =	shalt  }
0x5a: {  	_ =	shalt  }
0x5b: {  	_ =	shalt  }
0x5c: {  	_ =	shalt  }
0x5d: {  	_ =	shalt  }
0x5e: {  	_ =	shalt  }
0x5f: {  	_ =	shalt  }
0x60: {  	_ =	shalt  }
0x61: {  	_ =	shalt  }
0x62: {  	_ =	shalt  }
0x63: {  	_ =	shalt  }
0x64: {  	_ =	shalt  }
0x65: {  	_ =	shalt  }
0x66: {  	_ =	shalt  }
0x67: {  	_ =	shalt  }
0x68: {  	_ =	shalt  }
0x69: {  	_ =	shalt  }
0x6a: {  	_ =	shalt  }
0x6b: {  	_ =	shalt  }
0x6c: {  	_ =	shalt  }
0x6d: {  	_ =	shalt  }
0x6e: {  	_ =	shalt  }
0x6f: {  	_ =	shalt  }
0x70: {  	_ =	shalt  }
0x71: {  	_ =	shalt  }
0x72: {  	_ =	shalt  }
0x73: {  	_ =	shalt  }
0x74: {  	_ =	shalt  }
0x75: {  	_ =	shalt  }
0x76: {  	_ =	shalt  }
0x77: {  	_ =	shalt  }
0x78: {  	_ =	shalt  }
0x79: {  	_ =	shalt  }
0x7a: {  	_ =	shalt  }
0x7b: {  	_ =	shalt  }
0x7c: {  	_ =	shalt  }
0x7d: {  	_ =	shalt  }
0x7e: {  	_ =	shalt  }
0x7f: {  	_ =	shalt  }
0x80: {  	_ =	shalt  }
0x81: {  	_ =	shalt  }
0x82: {  	_ =	shalt  }
0x83: {  	_ =	shalt  }
0x84: {  	_ =	shalt  }
0x85: {  	_ =	shalt  }
0x86: {  	_ =	shalt  }
0x87: {  	_ =	shalt  }
.Lfunc_end0:
.L_simem_size_0:
called_computation_lowered:
.L_overlay_start_0:
0x88: {  	s0 =	sld [smem:$0x3FD9]  }
0x89: {  	s1 =	sld [smem:$0x3FFE];
	_ =	sdelay $0x3  }
0x8a: {  	s0 =	sadd.s32 s1, s0  }
0x8b: {  	[smem:$0x3FBD] =	sst s0  }
0x8c: {  	_ = 	snop  }
0x8d: {  	(tm) =	ssettm $0x1  }
0x8e: {  	s15 =	sld [smem:$0x3FFB];
	_ =	sdelay $0x3  }
0x8f: {  	_ =	strace s15  }
0x90: {  	s0 =	sld [smem:$0x3FFC];
	_ =	sdelay $0x3  }
0x91: {  	_ =	strace s0  }
0x92: {  	s0 =	sld [smem:$0x3FFD];
	_ =	sdelay $0x3  }
0x93: {  	_ =	strace s0  }
0x94: {  	_ =	strace $0x8FFFFFFF  }
0x95: {  	s16 =	sld [smem:$0x3FDB];
	_ =	sdelay $0x1  }
0x96: {  	s17 =	simm.s32 $_scs_section_size  }
0x97: {  	s2 =	simm.s32 $_size__tile_overlayer_lowered;
	s3 =	simm.s32 $_tile_overlayer_lowered  }
0x98: {  	s20 =	simm.s32 $0x1BFF;
	s19 =	sshll.u32 s3, $0x1;
	s0 =	sadd.s32 s17, s16  }
0x99: {  	s4 =	simm.s32 $0x0;
	s18 =	sshll.u32 s2, $0x1;
	s2 =	sadd.s32 s19, s0  }
0x9a: {  	[timem:s4], [sflag:s20] =	dma.local [hbm:s2], s18  }
0x9b: {  	_ =	swait.ge [sflag:s20], s18  }
0x9c: {  	s1 =	ssub.s32 $0x0, s18;
	[sflag:s20] =	ssyncset.done $0x0  }
0x9d: {  	[sflag:s20] =	ssyncadd.s32 s1;
	_ =	sdelay $0x1  }
0x9e: {  	s21 =	simm.s32 $0x1B8B  }
0x9f: {  	_ =	swait.ge [sflag:s21], $0x1  }
0xa0: {  	[sflag:s21] =	ssyncset.done $0x0  }
0xa1: {  	s23 =	simm.s32 $0x1B8E;
	s22 =	sld [smem:$0x3FFE];
	[sflag:s21] =	ssyncadd.s32 $0xFFFFFFFF  }
0xa2: {  	s24 =	simm.s32 $execute0_lowered;
	[smem:$0x3FD2] =	sst s23  }
0xa3: {  	s2 =	sshll.u32 s24, $0x1;
	_ =	strace $0x80000046;
	[dreg:$0x1] =	wrdreg $0xFFFFFFFF  }
0xa4: {  	s25 =	simm.s32 $_size_execute0_lowered;
	s0 =	sadd.s32 s0, s2;
	[dreg:$0x0] =	wrdreg $0x0  }
0xa5: {  	s2 =	sshll.u32 s25, $0x1;
	[dreg:$0x2] =	wrdreg s0  }
0xa6: {  	[dreg:$0x3] =	wrdreg s2  }
0xa7: {  	[dreg:$0x4] =	wrdreg $0xC0  }
0xa8: {  	_ =	task [dreg:s4], $0x5FFFF  }
0xa9: {  	[dreg:$0x1] =	wrdreg $0xFFFFFFFF  }
0xaa: {  	[dreg:$0x0] =	wrdreg $0x60  }
0xab: {  	[dreg:$0x2] =	wrdreg s22  }
0xac: {  	[dreg:$0x3] =	wrdreg $0x9  }
0xad: {  	_ =	task.clear_ibuf [dreg:s4], $0x4FFFF;
	_ =	strace $0x90000046  }
0xae: {  	s26 =	simm.s32 $0x9;
	_ =	strace $0x80000048  }
0xaf: {  	_ =	swait.ge [sflag:s26], $0x1  }
0xb0: {  	[sflag:s26] =	ssyncadd.s32 $0xFFFFFFFF  }
0xb1: {  	_ =	strace $0x90000048  }
0xb2: {  	_ =	sfence  }
0xb3: {  	s28 =	sld [smem:$0x0];
	_ =	sdelay $0x1  }
0xb4: {  	s29 =	srdreg.scid  }
0xb5: {  	s30 =	sshll.u32 s29, $0xD;
	s31 =	sshrl.u32 s29, $0x2  }
0xb6: {  	s1 =	sand.u32 $0x1, s29;
	s2 =	sand.u32 $0x4000, s30;
	s0 =	sadd.s32 s31, s28  }
0xb7: {  	s1 =	sor.u32 s2, s1;
	s0 =	sshll.u32 s0, $0x11  }
0xb8: {  	s0 =	sor.u32 s0, s1  }
0xb9: {  	s0 =	sadd.s32 $0x8F2B, s0  }
0xba: {  	[sflag:s0] =	ssyncadd.remote.s32 $0x1  }
0xbb: {  	_ =	sfence.sel $0xFFFF  }
0xbc: {  	[dreg:$0x0] =	wrdreg $0xFFFFFFFF;
	(pc) =	sbr.abs _section_cstart, $3  }
0xbd: {  	[dreg:$0x1] =	wrdreg $0xFFFFFFFF  }
0xbe: {  	_ =	task.clear_ibuf [dreg:s4], $0x2FFFF;
	_ =	strace $0x9FFFFFFF  }
0xbf: {  	(tm) =	ssettm $0x7FFFFFFF  }
tec
execute0_lowered:
.L_overlay_start_1:
0x0: {  	(tag) =	ssettag $0x1  }
0x1: {  	s0 =	rddreg [dreg:$0x0];
	_ =	strace $0x80000047;
	s15 =	stileid.u32  }
0x2: {  	s2 =	simm.s32 $0x1;
	s1 =	smin.u32 s15, $0x8;
	s3 =	sshll.u32 s15, $0x1  }
0x3: {  	v1 =	vimm.s32 $0xFFFFFFFF;
	[sflag:s2] =	ssyncpa.u1 $0x0;
	s1 =	sadd.s32 s1, s3  }
0x4: {  	p0 =	slt.u32 s15, $0x8;
	[tilespmem:$0x10] =	vst v1;
	s4 =	smul.u32 $0x1F40, s1;
	s1 =	simm.s32 $0x5DC0  }
0x5: {  	v0 =	vimm.f32 $0.0e+00;
	[tilespmem:$0x20] =	vst v1;
	s1 =	simm.s32 @!p0 $0x3E80  }
0x6: {  	[tilespmem:$0x30] =	vst v0;
	s1 =	sadd.s32 s1, s4  }
0x7: {  	[tilespmem:$0x40] =	vst v0;
	s5 =	smin.u32 s1, $0x4E200  }
0x8: {  	s7 =	simm.s32 $0x2;
	s8 =	simm.s32 $0x8;
	[tilespmem:$0x50] =	vst v0;
	s9 =	ssub.s32 s5, s4  }
0x9: {  	s31 =	simm.s32 $0x9;
	s16 =	simm.s32 $0x0;
	[tilespmem:$0x60] =	vst v1;
	p0 =	sgt.s32 s9, $0x0  }
0xa: {  	s17 =	simm.s32 $0xF0;
	s18 =	simm.s32 $0xFFFFFFFF;
	[tilespmem:$0x70] =	vst v1;
	s9 =	simm.s32 @!p0 $0x0  }
0xb: {  	s19 =	simm.s32 $0xFFFFC280;
	s20 =	simm.s32 $0xFFFFFFFE;
	[tilespmem:$0x80] =	vst v1;
	s30 =	smulhi.u32 $0x10624DD3, s9  }
0xc: {  	s21 =	simm.s32 $0xF;
	s25 =	simm.s32 $0x0;
	s24 =	simm.s32 $0x0;
	v1 =	vimm.s32 $0x0;
	[tilespmem:$0xB0] =	vst v0  }
0xd: {  	s6 =	sadd.s32 $0x1A00, s0;
	s15 =	sshllo.u32 s15, $0x1;
	[tilespmem:$0x90] =	vst v1;
	s10 =	sshrl.u32 s30, $0x9  }
0xe: {  	[tilespmem:$0xA0] =	vst v1;
	[sflag:s7] =	ssyncpa.u1 $0x0;
	s7 =	simm.s32 $0x7;
	s11 =	smul.u32 $0x1F40, s10  }
.Ltmp0:
0xf: {  	s13 =	sor.u32 $0x80, s3;
	[sflag:s7] =	ssyncpa.u1 $0x0;
	(pc) =	sbr.rel .LBB2_1-.Ltmp0, $4  }
0x10: {  	s14 =	sor.u32 $0x81, s3;
	[sflag:s8] =	ssyncpa.u1 $0x0;
	p0 =	sne.s32 s9, s11  }
0x11: {  	s23 =	smov.u32 s4;
	s1 =	sadd.s32 $0x29200, s0;
	s2 =	simm.s32 @!p0 $0x0  }
0x12: {  	vm0 =	vmmov $0xffff;
	v2 =	vlaneseq.u32;
	[sflag:s31] =	ssyncpa.u1 $0x0;
	s9 =	sadd.s32 $0xB800, s0;
	s10 =	sadd.s32 s2, s10  }
0x13: {  	vm1 =	vmxor vm1, vm1;
	vm2 =	vmmov $0x1;
	vm3 =	vcmask $0x3F3C;
	p0 =	por $0x0, $0x0;
	s11 =	sadd.s32 $0x1, s10;
	s12 =	sadd.s32 $0x2, s10  }
.LBB2_9:
0x14: {  	p1 =	slt.u32 s24, $0x3  }
0x15: {  	s0 =	simm.s32 @!p1 $0x2  }
0x16: {  	_ =	swait.ge @!p1 [sflag:s0], $0x1F40  }
0x17: {  	[sflag:s0] =	ssyncset.done @!p1 $0x0  }
0x18: {  	[sflag:s0] =	ssyncadd.s32 @!p1 $0xFFFFE0C0;
	s0 =	simm.s32 @!p1 $0x9  }
0x19: {  	_ =	swait.ge @!p1 [sflag:s0], $0x10  }
0x1a: {  	[sflag:s0] =	ssyncset.done @!p1 $0x0  }
0x1b: {  	[sflag:s0] =	ssyncadd.s32 @!p1 $0xFFFFFFF0;
	p1 =	sne.s32 s24, s12  }
.Ltmp1:
0x1c: {  	s2 =	sadd.s32 $0x1F40, s23;
	(pc) =	sbr.rel @!p1 .LBB2_10-.Ltmp1, $4  }
0x1d: {  	s22 =	smov.u32 s4;
	s31 =	sadd.s32 $0x1, s24;
	s17 =	sadd.s32 $0x1F40, s17  }
0x1e: {  	s18 =	sadd.s32 $0x1, s18;
	s25 =	smov.u32 s23;
	p2 =	slt.s32 s2, s5  }
0x1f: {  	p0 =	por !p0, !p0;
	s19 =	sadd.s32 $0x1F40, s19;
	s22 =	smov.u32 @p2 s2  }
0x20: {  	s20 =	sadd.s32 $0x1, s20;
	s23 =	smov.u32 s22;
	s24 =	smov.u32 s31  }
.LBB2_1:
0x21: {  	p1 =	sge.u32 s24, s10  }
0x22: {  	s0 =	smulhi.u32 @!p1 $0xAAAAAAAB, s24;
	_ =	sdelay $0x1  }
0x23: {  	s0 =	sshrl.u32 @!p1 s0, $0x1  }
0x24: {  	s0 =	smul.u32 @!p1 $0x3, s0;
	_ =	sdelay $0x1  }
0x25: {  	s0 =	ssub.s32 @!p1 s24, s0  }
0x26: {  	s0 =	smul.u32 @!p1 $0x7D00, s0;
	_ =	sdelay $0x1  }
0x27: {  	s2 =	sshrl.u32 @!p1 s23, $0x3;
	s0 =	sshrl.u32 @!p1 s0, $0x2  }
0x28: {  	s22 =	sand.u32 @!p1 $0x7, s23;
	s2 =	sadd.s32 @!p1 s6, s2;
	s0 =	sadd.s32 @!p1 $0x100, s0  }
0x29: {  	[tilespmem:s0], [sflag:$0x7] =	stream.linear.gather @!p1 [hbm4b:s2+s22], $0x1F40, $0x38;
	[tilespmem:$0x11A60] =	vst v63  }
0x2a: {  	s0 =	sadd.s32 $0xFFFFFFFF, s24  }
0x2b: {  	p1 =	sge.u32 s0, s10  }
.Ltmp2:
0x2c: {  	_ = 	snop;
	(pc) =	sbr.rel @p1 .LBB2_5-.Ltmp2, $1  }
0x2d: {  	_ =	sdelay $0x3  }
0x2e: {  	s2 =	smulhi.u32 $0xAAAAAAAB, s0;
	_ =	sdelay $0x1  }
0x2f: {  	s2 =	sshrl.u32 s2, $0x1  }
0x30: {  	s2 =	smul.u32 $0x3, s2;
	_ =	sdelay $0x1  }
0x31: {  	s2 =	ssub.s32 s0, s2  }
0x32: {  	s2 =	smul.u32 $0x7D00, s2  }
0x33: {  	_ =	swait.ge [sflag:s7], $0x1F40  }
0x34: {  	[sflag:s7] =	ssyncset.done $0x0;
	s2 =	sshrl.u32 s2, $0x2  }
0x35: {  	[sflag:s7] =	ssyncadd.s32 $0xFFFFE0C0;
	(ifvalue) =	ssetifvalue $0xFFFFFFFF;
	v3 =	vld.msk [tilespmem:s2+$0x100 ss:$0x1], $0xffff;
	_ =	sdelay $0x2  }
0x36: {  	s30 =	smulhi.u32 $0xAAAAAAAB, s18;
	p1 =	sne.s32 s24, $0x1  }
0x37: {  	v4 =	vimm.s32 @!p1 $0x0  }
0x38: {  	s2 =	sshrl.u32 s30, $0x1;
	v4 =	vperm.xlane @!p1 v3, v4  }
0x39: {  	s22 =	sshll.u32 s24, $0x4;
	s2 =	smul.u32 $0xFFFE8900, s2;
	vm4 =	vlt.u32 v3, $0x2800  }
0x3a: {  	s22 =	sand.u32 $0x10, s22;
	v3 =	vnsel vm4, $0xFFFFFFFE, v3;
	vm4 =	vlt.u32 @!p1 v4, $0x2800  }
0x3b: {  	s2 =	sshra.s32 s2, $0x2;
	[tilespmem:s22+$0x60] =	vst v3;
	v3 =	vnsel @!p1 vm4, $0xFFFFFFFE, v4  }
0x3c: {  	s28 =	sadd.s32 s2, s17;
	[tilespmem:$0x80] =	vst @!p1 v3  }
0x3d: {  	v3 =	vld.msk [tilespmem:s28+$0x0 ss:$0x1], $0xffff;
	_ =	sdelay $0x4  }
0x3e: {  	(xrf1) =	vunique.msk.u32 $0xffff, v3;
	_ =	sdelay $0xd  }
0x3f: {  	v4 =	vimm.s32 $0xFFFFFFFF;
	v5, _, _ =	vpop (xrf1)  }
0x40: {  	vm5 =	vne.s32 v3, v4;
	vm4 =	veq.s32 v5, v2  }
0x41: {  	vm6 =	vlt.u32 v3, $0x2800;
	vm4 =	vmand vm5, vm4  }
0x42: {  	vm4 =	vmand vm6, vm4  }
0x43: {  	v4 =	vnsel vm4, $0xFFFFFFFF, v3  }
0x44: {  	s31 =	sand.u32 $0x1, s0  }
0x45: {  	s0 =	simm.s32 $0x1F40;
	p1 =	seq.s32 s31, $0x1  }
0x46: {  	s0 =	simm.s32 @!p1 $0x0  }
0x47: {  	s26 =	sadd.s32 $0x7DF0, s0;
	(ifvalue) =	ssetifvalue $0xFFFFFFFF  }
0x48: {  	v3 =	vperm.xlane v3, v1;
	[tilespmem:s26], [sflag:$0x8] =	stream.indirect_vreg.gather [hbm4b:s1+s16], $0x1, v4, vm0, $0x4038;
	v4 =	vnsel vm6, $0xFFFFFFFE, v4;
	[tilespmem:$0x11A60] =	vst v63  }
0x49: {  	s2 =	simm.s32 $0x0;
	s22 =	sadd.s32 $0xFFFFFFF0, s28;
	[tilespmem:s28+$0x0] =	vst v4  }
.LBB2_3:
0x4a: {  	v4 =	vld.msk [tilespmem:s22+$0x0 ss:$0x1], $0xffff;
	s2 =	sadd.s32 $0x10, s2;
	v5 =	vmov v3;
	s28 =	smov.u32 s22  }
0x4b: {  	p1 =	slt.u32 s2, $0x1F30;
	_ =	sdelay $0x4  }
0x4c: {  	v3 =	vperm.xlane v4, v1;
	(xrf1) =	vunique.msk.u32 $0xffff, v4;
	_ =	sdelay $0xd  }
0x4d: {  	v6, _, _ =	vpop (xrf1)  }
0x4e: {  	vm5 =	vne.s32 v4, v5;
	vm4 =	veq.s32 v6, v2  }
0x4f: {  	vm6 =	vlt.u32 v4, $0x2800;
	vm4 =	vmand vm5, vm4  }
0x50: {  	vm4 =	vmand vm6, vm4  }
0x51: {  	v4 =	vnsel vm4, $0xFFFFFFFF, v4  }
.Ltmp3:
0x52: {  	v5 =	vnsel vm6, $0xFFFFFFFE, v4;
	(pc) =	sbr.rel @p1 .LBB2_3-.Ltmp3, $3  }
0x53: {  	_ =	sdelay $0x1  }
0x54: {  	s22 =	sadd.s32 $0xFFFFFFF0, s22;
	s26 =	sadd.s32 $0xFFFFFFF0, s26;
	(ifvalue) =	ssetifvalue $0xFFFFFFFF  }
0x55: {  	[tilespmem:s26], [sflag:$0x8] =	stream.indirect_vreg.gather [hbm4b:s1+s16], $0x1, v4, vm0, $0x4038;
	[tilespmem:s28+$0x0] =	vst v5  }
0x56: {  	s2 =	sshrl.u32 s25, $0x3  }
0x57: {  	s0 =	sadd.s32 $0x9D40, s0;
	s2 =	sadd.s32 s9, s2  }
0x58: {  	[tilespmem:s0], [sflag:$0x8] =	stream.linear.gather [hbm:s2], $0x1F40, $0x38;
	[tilespmem:$0x11A60] =	vst v63  }
.LBB2_5:
0x59: {  	p1 =	slt.u32 s24, $0x2  }
0x5a: {  	p2 =	sge.u32 @!p1 s24, s12  }
0x5b: {  	p1 =	por p1, p2  }
.Ltmp4:
0x5c: {  	_ = 	snop;
	(pc) =	sbr.rel @p1 .LBB2_9-.Ltmp4, $1  }
0x5d: {  	_ =	sdelay $0x3  }
0x5e: {  	s0 =	sadd.s32 $0xFFFFFFFE, s24  }
0x5f: {  	s2 =	smulhi.u32 $0xAAAAAAAB, s0;
	_ =	sdelay $0x1  }
0x60: {  	s2 =	sshrl.u32 s2, $0x1  }
0x61: {  	s2 =	smul.u32 $0x3, s2;
	_ =	sdelay $0x1  }
0x62: {  	s0 =	ssub.s32 s0, s2  }
0x63: {  	_ =	swait.ge [sflag:s8], $0x3E80;
	s0 =	smul.u32 $0x1F40, s0  }
0x64: {  	p1 =	sne.s32 s24, s11;
	[sflag:s8] =	ssyncset.done $0x0  }
0x65: {  	[sflag:s8] =	ssyncadd.s32 $0xFFFFC180;
	s2 =	sadd.s32 @!p1 $0x203F, s0  }
0x66: {  	[spmem:s14] =	stream.linear.scatter @!p1 [tilespmem:s2], [sflag:$0x1], $0x1, $0x38;
	[tilespmem:$0x11A60] =	vst v63  }
0x67: {  	s2 =	simm.s32 @!p1 $0x1  }
0x68: {  	_ =	swait.ge @!p1 [sflag:s2], $0x1  }
0x69: {  	s22 =	sshll.u32 s24, $0x4;
	[sflag:s2] =	ssyncset.done @!p1 $0x0  }
0x6a: {  	s25 =	sand.u32 $0x10, s22;
	[sflag:s2] =	ssyncadd.s32 @!p1 $0xFFFFFFFF  }
0x6b: {  	s2 =	sxor.u32 $0x10, s25;
	v4 =	vld [tilespmem:s25+$0x10]  }
0x6c: {  	v5 =	vld [tilespmem:s2+$0x60]  }
0x6d: {  	v3 =	vld [tilespmem:$0x80];
	_ =	sdelay $0x2  }
0x6e: {  	(v2sf) =	vpush v4, $0x0  }
0x6f: {  	(v2sf) =	vpush v5, $0x0  }
0x70: {  	(v2sf) =	vpush v3, $0x0;
	_ =	sdelay $0xc  }
0x71: {  	s22 =	spop (v2sf)  }
0x72: {  	s26 =	spop (v2sf)  }
0x73: {  	s28 =	spop (v2sf)  }
0x74: {  	p2 =	seq.s32 s22, s26;
	p3 =	seq.s32 s28, s22  }
0x75: {  	p3 =	por p2, p3  }
0x76: {  	s26 =	sand.u32 $0x1, s24;
	v4 =	vpsel p3, $0xFFFFFFFF, v4  }
0x77: {  	s29 =	smul.u32 $0x1F40, s26;
	[tilespmem:s25+$0x10] =	vst.msk $0x1, v4  }
0x78: {  	v4 =	vld [tilespmem:$0x30]  }
0x79: {  	v5 =	vld [tilespmem:s29+$0x9D40]  }
0x7a: {  	v6 =	vld [tilespmem:s25+$0x40];
	_ =	sdelay $0x3  }
0x7b: {  	vm4 =	vmmov vm1;
	v5 =	vadd.f32 v5, v4  }
0x7c: {  	vm5 =	vmmov vm2;
	vm4 =	vmmov @p2 vm2;
	s22 =	sshll.u32 s26, $0x4;
	v4 =	vadd.f32 v6, v4  }
0x7d: {  	s26 =	sor.u32 $0x11A40, s22;
	vm5 =	vmmov @p3 vm1;
	[tilespmem:s29+$0x9D40] =	vst.msk vm4, v5  }
0x7e: {  	[tilespmem:s26+$0x0] =	vst.msk vm5, v4  }
0x7f: {  	v4 =	vld [tilespmem:s29+$0x7DF0];
	_ =	sdelay $0x3  }
0x80: {  	v5 =	vimm.f32 $0.0e+00  }
0x81: {  	v4 =	vshift.insert v4, v5, s21  }
0x82: {  	s22 =	sor.u32 $0x40, s2  }
0x83: {  	[tilespmem:s22+$0x0] =	vst.msk $0x1, v4  }
0x84: {  	[tilespmem:s29+$0x7DFF] =	vst.msk $0x1, v5  }
0x85: {  	v4 =	vld [tilespmem:s0+$0x2030];
	_ =	sdelay $0x1  }
0x86: {  	s22 =	smulhi.u32 $0xAAAAAAAB, s20;
	s0 =	simm.s32 $0x1  }
0x87: {  	s0 =	simm.s32 @!p0 $0x0  }
0x88: {  	s22 =	sshrl.u32 s22, $0x1;
	s0 =	smul.u32 $0x7D00, s0  }
0x89: {  	s22 =	smul.u32 $0xFFFE8900, s22;
	v4 =	vshift.insert v4, v1, s21  }
0x8a: {  	s0 =	sshrl.u32 s0, $0x2  }
0x8b: {  	s22 =	sshra.s32 s22, $0x2;
	s30 =	sadd.s32 $0x9D40, s0;
	[tilespmem:s2+$0x10] =	vst.msk $0x1, v4  }
0x8c: {  	s22 =	sadd.s32 s22, s19;
	v6 =	vld [tilespmem:s30+$0x0]  }
0x8d: {  	v7 =	vld [tilespmem:s22+$0x0];
	_ =	sdelay $0x3  }
0x8e: {  	v5 =	vadd.f32 v6, v5  }
0x8f: {  	vm4 =	vne.s32 v7, $0xFFFFFFFF  }
0x90: {  	(xrf2) =	vadd.seg.scan.f32 vm4, v5;
	_ =	sdelay $0x3  }
0x91: {  	s31 =	sadd.s32 $0x5EC0, s0;
	v5 =	vperm.xlane v4, v1  }
0x92: {  	v6 =	vld [tilespmem:s31+$0x0]  }
0x93: {  	vm5 =	veq.s32 v7, v3;
	vm6 =	veq.s32 v7, v5  }
0x94: {  	vm7 =	vgt.u32 v7, $0xFFFFFFFD;
	vm6 =	vmor vm6, vm5  }
0x95: {  	vm6 =	vmor vm6, vm7  }
0x96: {  	v9 =	vld [tilespmem:$0xA0];
	v7 =	vsel vm6, $0xFFFFFFFF, v7  }
0x97: {  	v10 =	vld [tilespmem:$0x90];
	v6 =	vsel vm5, $0x0, v6;
	v8, _, _ =	vpop (xrf2)  }
0x98: {  	v6 =	vadd.f32 v8, v6  }
0x99: {  	s0 =	sadd.s32 $0xDBC0, s0  }
0x9a: {  	vm4 =	vmand vm4, vm3;
	[tilespmem:s0+$0x0] =	vst v6;
	(ifvalue) =	ssetifvalue $0xFFFFFFFF  }
0x9b: {  	vm6 =	veq.s32 v9, $0x1;
	[hbm4b:s1+s16] =	stream.indirect_vreg.scatter [tilespmem:s0], [sflag:$0x2], $0x1, v7, vm0, $0x4038;
	v7 =	vsel vm4, $0x0, v8;
	[tilespmem:$0x11A60] =	vst v63  }
0x9c: {  	s2 =	simm.s32 $0x0;
	s22 =	sadd.s32 $0x10, s22;
	vm4 =	vmor vm6, vm5;
	v6 =	vsel vm5, v8, v10;
	v7 =	vshift.insert v7, v0, s21  }
.LBB2_7:
0x9d: {  	v8 =	vld [tilespmem:s22+$0x0];
	s30 =	sadd.s32 $0x10, s30  }
0x9e: {  	s31 =	sadd.s32 $0x10, s31;
	v9 =	vld [tilespmem:s30+$0x0]  }
0x9f: {  	s2 =	sadd.s32 $0x10, s2;
	v10 =	vld [tilespmem:s31+$0x0]  }
0xa0: {  	p2 =	slt.u32 s2, $0x1F30;
	_ =	sdelay $0x2  }
0xa1: {  	v7 =	vadd.f32 v9, v7  }
0xa2: {  	vm5 =	vne.s32 v8, $0xFFFFFFFF  }
0xa3: {  	vm6 =	vmand vm5, vm3;
	(xrf2) =	vadd.seg.scan.f32 vm5, v7;
	_ =	sdelay $0x5  }
0xa4: {  	vm7 =	veq.s32 v8, v5;
	vm5 =	veq.s32 v8, v3  }
0xa5: {  	vm8 =	vgt.u32 v8, $0xFFFFFFFD;
	vm4 =	vmor vm4, vm5;
	vm7 =	vmor vm7, vm5  }
0xa6: {  	vm7 =	vmor vm7, vm8  }
0xa7: {  	v8 =	vsel vm7, $0xFFFFFFFF, v8  }
.Ltmp5:
0xa8: {  	v7 =	vsel vm5, $0x0, v10;
	v9, _, _ =	vpop (xrf2);
	(pc) =	sbr.rel @p2 .LBB2_7-.Ltmp5, $4  }
0xa9: {  	v6 =	vsel vm5, v9, v6;
	v10 =	vadd.f32 v9, v7;
	v7 =	vsel vm6, $0x0, v9  }
0xaa: {  	s0 =	sadd.s32 $0x10, s0;
	v7 =	vshift.insert v7, v0, s21  }
0xab: {  	s22 =	sadd.s32 $0x10, s22;
	[tilespmem:s0+$0x0] =	vst v10;
	(ifvalue) =	ssetifvalue $0xFFFFFFFF  }
0xac: {  	[hbm4b:s1+s16] =	stream.indirect_vreg.scatter [tilespmem:s0], [sflag:$0x2], $0x1, v8, vm0, $0x4038;
	[tilespmem:$0x11A60] =	vst v63  }
0xad: {  	v3 =	vld [tilespmem:s29+$0xFAF0];
	_ =	sdelay $0x4  }
0xae: {  	v3 =	vshift.insert v3, v0, s21  }
0xaf: {  	s0 =	simm.s32 $0x30  }
0xb0: {  	[tilespmem:s0+$0x0] =	vst.msk $0x1, v3  }
0xb1: {  	v3 =	vsel vm4, $0x1, v1;
	[tilespmem:$0x90] =	vst v6  }
0xb2: {  	s0 =	sadd.s32 @!p1 $0xFAFF, s29;
	[tilespmem:$0xA0] =	vst v3  }
0xb3: {  	[spmem:s15] =	stream.linear.scatter @!p1 [tilespmem:s0], [sflag:$0x1], $0x1, $0x38;
	[tilespmem:$0x11A60] =	vst v63  }
0xb4: {  	s0 =	simm.s32 @!p1 $0x1  }
0xb5: {  	v3 =	vmctz.xlane @!p1 vm4;
	_ =	swait.ge @!p1 [sflag:s0], $0x1  }
0xb6: {  	(v2sf) =	vpush @!p1 v4, $0x0  }
0xb7: {  	(v2sf) =	vpush @!p1 v3, $0x0;
	_ =	sdelay $0xd  }
0xb8: {  	s2 =	spop @!p1 (v2sf)  }
0xb9: {  	s22 =	spop @!p1 (v2sf)  }
0xba: {  	p2 =	sne.s32 @!p1 s28, s2;
	p3 =	slt.s32 @!p1 s22, $0xF  }
0xbb: {  	[sflag:s0] =	ssyncset.done @!p1 $0x0;
	p2 =	por p2, p1;
	p3 =	por !p3, p1  }
0xbc: {  	[sflag:s0] =	ssyncadd.s32 @!p1 $0xFFFFFFFF;
	v3 =	vimm.s32 @!p2 $0xFFFFFFFF;
	s22 =	simm.s32 @p3 $0xF  }
0xbd: {  	[tilespmem:$0x80] =	vst @!p2 v3;
	s2 =	sadd.s32 @!p1 $0x90, s22  }
0xbe: {  	[spmem:s3] =	stream.linear.scatter @!p1 [tilespmem:s2], [sflag:$0x1], $0x1, $0x38;
	[tilespmem:$0x11A60] =	vst v63  }
0xbf: {  	_ =	swait.ge @!p1 [sflag:s0], $0x1  }
0xc0: {  	[sflag:s0] =	ssyncset.done @!p1 $0x0  }
0xc1: {  	s2 =	simm.s32 @!p1 $0x80;
	[sflag:s0] =	ssyncadd.s32 @!p1 $0xFFFFFFFF  }
0xc2: {  	[spmem:s13] =	stream.linear.scatter @!p1 [tilespmem:s2], [sflag:$0x1], $0x1, $0x38;
	[tilespmem:$0x11A60] =	vst v63  }
0xc3: {  	_ =	swait.ge @!p1 [sflag:s0], $0x1  }
0xc4: {  	[sflag:s0] =	ssyncset.done @!p1 $0x0  }
0xc5: {  	[sflag:s0] =	ssyncadd.s32 @!p1 $0xFFFFFFFF;
	(ifvalue) =	ssetifvalue $0xFFFFFFFF;
	v3 =	vld [tilespmem:s25+$0x10];
	_ =	sdelay $0x3  }
.Ltmp6:
0xc6: {  	_ = 	snop;
	(pc) =	sbr.rel .LBB2_9-.Ltmp6, $3  }
0xc7: {  	_ =	sdelay $0x1  }
0xc8: {  	(ifvalue) =	ssetifvalue $0xFFFFFFFF  }
0xc9: {  	[hbm4b:s1+s16] =	stream.indirect_vreg.scatter [tilespmem:s26], [sflag:$0x9], $0x1, v3, vm0, $0x4038;
	[tilespmem:$0x11A60] =	vst v63  }
.LBB2_10:
0xca: {  	_ =	sfence.sel $0x180000  }
0xcb: {  	s0 =	simm.s32 $0x7;
	[bflag:$0x0] =	sbarrier.arrive $0xFFFF  }
0xcc: {  	s26 =	simm.s32 $0x8;
	[sflag:s0] =	ssyncpa.u1 $0x1  }
0xcd: {  	s28 =	simm.s32 $0x9;
	[sflag:s26] =	ssyncpa.u1 $0x1  }
0xce: {  	[sflag:s28] =	ssyncpa.u1 $0x1  }
0xcf: {  	_ =	sfence.stream.spmem  }
0xd0: {  	s29 =	simm.s32 $0x3;
	[bflag:$0x0] =	sbarrier.arrive $0xFFFF  }
0xd1: {  	s30 =	simm.s32 $0x4;
	[sflag:s29] =	ssyncpa.u1 $0x1  }
0xd2: {  	s31 =	simm.s32 $0x3C;
	s2 =	stileid.u32;
	[sflag:s30] =	ssyncpa.u1 $0x1  }
0xd3: {  	p0 =	sne.s32 s2, $0x0;
	[sflag:s31] =	ssyncpa.u1 $0x1  }
0xd4: {  	s0 =	simm.s32 @p0 $0x1;
	_ =	sfence @p0  }
0xd5: {  	[sflag:s0] =	ssyncpa.u1 @p0 $0x1;
	s0 =	simm.s32 @p0 $0x2  }
0xd6: {  	[sflag:s0] =	ssyncpa.u1 @p0 $0x1  }
0xd7: {  	_ =	strace @p0 $0x90000047  }
0xd8: {  	[bflag:$0x2] =	sbarrier.arrive @p0 $0xFFFF  }
0xd9: {  	_ =	shalt @p0  }
.LBB2_11:
0xda: {  	_ =	sfence.stream.spmem;
	s0 =	simm.s32 $0x5  }
0xdb: {  	s2 =	simm.s32 $0x80;
	s3 =	simm.s32 $0xC0;
	[sflag:s0] =	ssyncpa.u1 $0x0  }
0xdc: {  	[tilespmem:s3], [sflag:$0x5] =	stream.linear.gather [spmem:s2], $0x20, $0x38;
	[tilespmem:$0x11A60] =	vst v63  }
0xdd: {  	s2 =	simm.s32 $0x0;
	s3 =	simm.s32 $0xE0  }
0xde: {  	[tilespmem:s3], [sflag:$0x5] =	stream.linear.gather [spmem:s2], $0x20, $0x38;
	[tilespmem:$0x11A60] =	vst v63  }
.Ltmp7:
0xdf: {  	_ = 	snop;
	(pc) =	sbr.rel .LBB2_12-.Ltmp7, $4  }
0xe0: {  	_ =	swait.ge [sflag:s0], $0x40  }
0xe1: {  	[sflag:s0] =	ssyncset.done $0x0  }
0xe2: {  	s31 =	simm.s32 $0x6;
	[sflag:s0] =	ssyncadd.s32 $0xFFFFFFC0  }
0xe3: {  	s4 =	simm.s32 $0x0;
	[sflag:s31] =	ssyncpa.u1 $0x0  }
.LBB2_17:
0xe4: {  	p0 =	sgt.u32 s5, $0x27FF  }
0xe5: {  	s0 =	sshrl.u32 @!p0 s5, $0x3  }
0xe6: {  	s5 =	sand.u32 @!p0 $0x7, s5;
	s6 =	simm.s32 @!p0 $0xB0;
	s0 =	sadd.s32 @!p0 s1, s0  }
0xe7: {  	[tilespmem:s6], [sflag:$0x6] =	stream.linear.gather @!p0 [hbm4b:s0+s5], $0x1, $0x38;
	[tilespmem:$0x11A60] =	vst v63  }
0xe8: {  	s0 =	simm.s32 @!p0 $0x6  }
0xe9: {  	_ =	swait.ge @!p0 [sflag:s0], $0x1  }
0xea: {  	[sflag:s0] =	ssyncset.done @!p0 $0x0  }
0xeb: {  	[sflag:s0] =	ssyncadd.s32 @!p0 $0xFFFFFFFF  }
0xec: {  	v2 =	vmov @!p0 s4;
	v1 =	vld.msk @!p0 [tilespmem:$0xB0], $0x1;
	_ =	sdelay $0x3  }
0xed: {  	s0 =	simm.s32 @!p0 $0xE0  }
0xee: {  	[tilespmem:v2+s0+$0x0], v1 =	vst.idx.ret.add.f32.msk @!p0 $0x1, v1  }
0xef: {  	[tilespmem:s2+$0xC0] =	vst.msk $0x1, v0  }
0xf0: {  	v0 =	vld.msk [tilespmem:s4+$0xE0], $0x1;
	_ =	sdelay $0x4  }
0xf1: {  	[tilespmem:s2+$0xE0] =	vst.msk $0x1, v0;
	s2 =	sadd.s32 $0x1, s2  }
.LBB2_19:
0xf2: {  	s4 =	sadd.s32 $0x1, s4  }
0xf3: {  	p0 =	sne.s32 s4, $0x20  }
.Ltmp8:
0xf4: {  	_ = 	snop;
	(pc) =	sbr.rel @!p0 .LBB2_20-.Ltmp8, $1  }
0xf5: {  	_ =	sdelay $0x3  }
.LBB2_12:
0xf6: {  	v0 =	vld.msk [tilespmem:s4+$0xC0], $0x1;
	_ =	sdelay $0x4  }
0xf7: {  	(v2sf) =	vpush v0, $0x0;
	_ =	sdelay $0xe  }
0xf8: {  	s5 =	spop (v2sf)  }
0xf9: {  	p0 =	seq.s32 s5, $0xFFFFFFFF  }
.Ltmp9:
0xfa: {  	_ = 	snop;
	(pc) =	sbr.rel @p0 .LBB2_19-.Ltmp9, $1  }
0xfb: {  	_ =	sdelay $0x3  }
0xfc: {  	p0 =	slt.s32 s2, $0x1  }
.Ltmp10:
0xfd: {  	_ = 	snop;
	(pc) =	sbr.rel @p0 .LBB2_17-.Ltmp10, $1  }
0xfe: {  	_ =	sdelay $0x3  }
0xff: {  	s0 =	simm.s32 $0xC0;
	p0 =	por $0x0, $0x0  }
0x100: {  	v1 =	vld.msk @!p0 [tilespmem:s0+$0x0], $0x1;
	_ =	sdelay $0x4  }
0x101: {  	(v2sf) =	vpush @!p0 v1, $0x0;
	_ =	sdelay $0xd  }
0x102: {  	p2 =	sne.s32 s2, $0x1  }
.Ltmp11:
0x103: {  	s6 =	spop @!p0 (v2sf);
	(pc) =	sbr.rel @!p2 .LBB2_16-.Ltmp11, $4  }
0x104: {  	p1 =	seq.s32 @!p0 s5, s6  }
0x105: {  	s6 =	simm.s32 $0x0;
	p1 =	por !p1, p0  }
0x106: {  	s8 =	simm.s32 $0xFFFFFFFF;
	s6 =	simm.s32 @p1 $0xFFFFFFFF  }
0x107: {  	s7 =	simm.s32 $0x1;
	s6 =	smov.u32 @p0 s8  }
.LBB2_15:
0x108: {  	s8 =	smov.u32 s6;
	p0 =	sne.s32 s6, $0xFFFFFFFF  }
0x109: {  	s0 =	sadd.s32 $0x1, s0;
	s6 =	smov.u32 s7;
	s7 =	sadd.s32 $0x1, s7  }
0x10a: {  	p1 =	sne.s32 s2, s7;
	v1 =	vld.msk @!p0 [tilespmem:s0+$0x0], $0x1;
	_ =	sdelay $0x4  }
0x10b: {  	(v2sf) =	vpush @!p0 v1, $0x0;
	_ =	sdelay $0xe  }
.Ltmp12:
0x10c: {  	s9 =	spop @!p0 (v2sf);
	(pc) =	sbr.rel @p1 .LBB2_15-.Ltmp12, $4  }
0x10d: {  	p2 =	seq.s32 @!p0 s5, s9  }
0x10e: {  	p2 =	por !p2, p0  }
0x10f: {  	s6 =	simm.s32 @p2 $0xFFFFFFFF  }
0x110: {  	s6 =	smov.u32 @p0 s8  }
.LBB2_16:
0x111: {  	p0 =	sne.s32 s6, $0xFFFFFFFF  }
.Ltmp13:
0x112: {  	_ = 	snop;
	(pc) =	sbr.rel @!p0 .LBB2_17-.Ltmp13, $1  }
0x113: {  	_ =	sdelay $0x3  }
0x114: {  	v0 =	vld.msk [tilespmem:s4+$0xE0], $0x1;
	v1 =	vmov s6  }
.Ltmp14:
0x115: {  	_ = 	snop;
	(pc) =	sbr.rel .LBB2_19-.Ltmp14, $2  }
0x116: {  	_ =	sdelay $0x2  }
0x117: {  	[tilespmem:v1+s3+$0x0], v0 =	vst.idx.ret.add.f32.msk $0x1, v0  }
.LBB2_20:
0x118: {  	p0 =	slt.s32 s2, $0x1  }
.Ltmp15:
0x119: {  	_ = 	snop;
	(pc) =	sbr.rel @p0 .LBB2_24-.Ltmp15, $3  }
0x11a: {  	_ =	sdelay $0x1  }
0x11b: {  	s0 =	simm.s32 $0x6  }
0x11c: {  	s3 =	simm.s32 $0x0;
	[sflag:s0] =	ssyncpa.u1 $0x1  }
0x11d: {  	s0 =	simm.s32 $0xC0  }
0x11e: {  	v0 =	vld.msk [tilespmem:s0+$0x0], $0x1;
	_ =	sdelay $0x4  }
0x11f: {  	(v2sf) =	vpush v0, $0x0;
	_ =	sdelay $0xe  }
0x120: {  	s2 =	sadd.s32 $0xFFFFFFFF, s2;
	s4 =	spop (v2sf)  }
0x121: {  	p1 =	sne.s32 s2, $0x0;
	p0 =	sgt.u32 s4, $0x27FF  }
.Ltmp16:
0x122: {  	s5 =	sshrl.u32 @!p0 s4, $0x3;
	(pc) =	sbr.rel @!p1 .LBB2_23-.Ltmp16, $4  }
0x123: {  	s0 =	simm.s32 $0xE0;
	s4 =	sand.u32 @!p0 $0x7, s4;
	s5 =	sadd.s32 @!p0 s1, s5  }
0x124: {  	[hbm4b:s5+s4] =	stream.linear.scatter @!p0 [tilespmem:s0], [sflag:$0x5], $0x1, $0x38;
	[tilespmem:$0x11A60] =	vst v63  }
0x125: {  	s5 =	simm.s32 $0x0  }
0x126: {  	s4 =	simm.s32 $0xC1;
	s5 =	simm.s32 @!p0 $0x4  }
.LBB2_22:
0x127: {  	v0 =	vld.msk [tilespmem:s4+$0x0], $0x1;
	s2 =	sadd.s32 $0xFFFFFFFF, s2;
	s3 =	sadd.s32 s3, s5  }
0x128: {  	p0 =	sne.s32 s2, $0x0;
	_ =	sdelay $0x3  }
0x129: {  	(v2sf) =	vpush v0, $0x0;
	_ =	sdelay $0xe  }
.Ltmp17:
0x12a: {  	s6 =	spop (v2sf);
	(pc) =	sbr.rel @p0 .LBB2_22-.Ltmp17, $4  }
0x12b: {  	s5 =	simm.s32 $0x0;
	p1 =	sgt.u32 s6, $0x27FF  }
0x12c: {  	s0 =	sadd.s32 $0x1, s0;
	s5 =	simm.s32 @!p1 $0x4;
	s7 =	sshrl.u32 @!p1 s6, $0x3  }
0x12d: {  	s4 =	sadd.s32 $0x1, s4;
	s6 =	sand.u32 @!p1 $0x7, s6;
	s7 =	sadd.s32 @!p1 s1, s7  }
0x12e: {  	[hbm4b:s7+s6] =	stream.linear.scatter @!p1 [tilespmem:s0], [sflag:$0x5], $0x1, $0x38;
	[tilespmem:$0x11A60] =	vst v63  }
.LBB2_23:
0x12f: {  	s0 =	sadd.s32 s3, s5  }
0x130: {  	s3 =	sshrl.u32 s0, $0x2  }
.LBB2_24:
0x131: {  	s0 =	simm.s32 $0x5  }
0x132: {  	_ =	swait.ge [sflag:s0], s3  }
0x133: {  	s1 =	ssub.s32 $0x0, s3;
	[sflag:s0] =	ssyncset.done $0x0  }
0x134: {  	[sflag:s0] =	ssyncadd.s32 s1  }
0x135: {  	[sflag:s0] =	ssyncpa.u1 $0x1  }
0x136: {  	s29 =	simm.s32 $0x1;
	_ =	sfence  }
0x137: {  	s30 =	simm.s32 $0x2;
	[sflag:s29] =	ssyncpa.u1 $0x1  }
0x138: {  	[sflag:s30] =	ssyncpa.u1 $0x1  }
0x139: {  	_ =	strace $0x90000047  }
0x13a: {  	[bflag:$0x2] =	sbarrier.arrive $0xFFFF  }
0x13b: {  	s31 =	rddreg [dreg:$0x1]  }
0x13c: {  	s0 =	sadd.s32 $0x100000, s31  }
0x13d: {  	[sflag:s0] =	ssyncadd.tile.s32 $0x1;
	_ =	shalt  }
.Lfunc_end2:
_tile_overlayer_lowered:
.L_overlay_start_2:
0x13e: {  	(tag) =	ssettag $0x2  }
0x13f: {  	s0 =	rddreg [dreg:$0x0];
	s2 =	stileid.u32  }
0x140: {  	s1 =	rddreg [dreg:$0x1];
	p0 =	sne.s32 s2, $0x0  }
0x141: {  	s3 =	rddreg [dreg:$0x2];
	[bflag:$0x3] =	sbarrier.arrive $0xFFFF;
	s2 =	simm.s32 @!p0 $0x1C01  }
0x142: {  	[timem:s3], [sflag:s2] =	dma.local @!p0 [hbm:s0], s1  }
0x143: {  	s0 =	simm.s32 @!p0 $0x1  }
0x144: {  	_ =	swait.ge @!p0 [sflag:s0], s1  }
0x145: {  	s1 =	ssub.s32 @!p0 $0x0, s1;
	[sflag:s0] =	ssyncset.done @!p0 $0x0  }
0x146: {  	[sflag:s0] =	ssyncadd.s32 @!p0 s1  }
0x147: {  	[bflag:$0x3] =	sbarrier.arrive $0xFFFF  }
0x148: {  	_ =	shalt  }

</sc_bundles>
